<compile_context>
chip_gen: v7x
topology: tpu7x:2x2x1
jax: 0.10.2.dev20260603
libtpu: 0.0.44.dev20260713+nightly
codegen_flags: <defaults>
</compile_context>

<pallas_src>
import jax
import jax.numpy as jnp
from jax import lax
from jax.experimental import pallas as pl
from jax.experimental.pallas import tpu as pltpu
from jax.experimental.pallas import tpu_sc as plsc

N = 10000
E = 320000
D_IN = 128
D_H = 16

NC = 2
NS = 16
NW = NC * NS
NPAD = 10240

CL = 128
CHUNKS = 80
EWP = CHUNKS * CL
EP = NW * EWP

NG = 8
GCHUNKS = EP // NG // CL
ROUNDS = 4
RCHUNKS = GCHUNKS // ROUNDS
NF = D_H // (NW // NG)

def _deg_body(src_hbm, dst_hbm, degs_hbm, src_v, dst_v, hs_v, hd_v):
    c = lax.axis_index("c")
    s = lax.axis_index("s")
    wid = c * NS + s

    zero = jnp.zeros((16,), jnp.float32)

    @plsc.parallel_loop(0, NPAD // 16, unroll=4)
    def zbody(i):
        hs_v[pl.ds(i * 16, 16)] = zero
        hd_v[pl.ds(i * 16, 16)] = zero

    pltpu.sync_copy(src_hbm.at[wid], src_v)
    pltpu.sync_copy(dst_hbm.at[wid], dst_v)

    ones = jnp.ones((16,), jnp.float32)

    @plsc.parallel_loop(0, CHUNKS, unroll=2)
    def body(j):
        for kk in range(CL // 16):
            sv = src_v[j, pl.ds(kk * 16, 16)]
            dv = dst_v[j, pl.ds(kk * 16, 16)]
            plsc.addupdate_scatter(hs_v, [sv], ones)
            plsc.addupdate_scatter(hd_v, [dv], ones)

    pltpu.sync_copy(hs_v, degs_hbm.at[0, wid])
    pltpu.sync_copy(hd_v, degs_hbm.at[1, wid])


def _degrees(src_p, dst_p):
    mesh = plsc.VectorSubcoreMesh(core_axis_name="c", subcore_axis_name="s")
    return pl.kernel(
        _deg_body,
        out_type=jax.ShapeDtypeStruct((2, NW, NPAD), jnp.float32),
        mesh=mesh,
        compiler_params=pltpu.CompilerParams(use_tc_tiling_on_sc=False, needs_layout_passes=False),
        scratch_types=[
            pltpu.VMEM((CHUNKS, CL), jnp.int32),
            pltpu.VMEM((CHUNKS, CL), jnp.int32),
            pltpu.VMEM((NPAD,), jnp.float32),
            pltpu.VMEM((NPAD,), jnp.float32),
        ],
    )(src_p, dst_p)


def _agg_body(ht_hbm, src_hbm, dst_hbm, aggp_hbm, src_v, dst_v, *tabagg):
    tabs = tabagg[:NF]
    aggs = tabagg[NF:]
    c = lax.axis_index("c")
    s = lax.axis_index("s")
    wid = c * NS + s
    g = lax.rem(wid, NG)
    fset = lax.div(wid, NG)

    zero = jnp.zeros((16,), jnp.float32)

    @plsc.parallel_loop(0, NPAD // 16, unroll=4)
    def zbody(i):
        for f in range(NF):
            aggs[f][pl.ds(i * 16, 16)] = zero

    for f in range(NF):
        pltpu.sync_copy(ht_hbm.at[fset * NF + f], tabs[f])

    def round_body(r, carry):
        pltpu.sync_copy(src_hbm.at[g, pl.ds(r * RCHUNKS, RCHUNKS)], src_v)
        pltpu.sync_copy(dst_hbm.at[g, pl.ds(r * RCHUNKS, RCHUNKS)], dst_v)

        @plsc.parallel_loop(0, RCHUNKS, unroll=2)
        def body(j):
            for kk in range(CL // 16):
                sv = src_v[j, pl.ds(kk * 16, 16)]
                dv = dst_v[j, pl.ds(kk * 16, 16)]
                for f in range(NF):
                    vals = plsc.load_gather(tabs[f], [sv])
                    plsc.addupdate_scatter(aggs[f], [dv], vals)
        return carry

    lax.fori_loop(0, ROUNDS, round_body, 0)

    for f in range(NF):
        pltpu.sync_copy(aggs[f], aggp_hbm.at[g, fset * NF + f])


def _aggregate(ht, src_g, dst_g):
    mesh = plsc.VectorSubcoreMesh(core_axis_name="c", subcore_axis_name="s")
    return pl.kernel(
        _agg_body,
        out_type=jax.ShapeDtypeStruct((NG, D_H, NPAD), jnp.float32),
        mesh=mesh,
        compiler_params=pltpu.CompilerParams(use_tc_tiling_on_sc=False, needs_layout_passes=False),
        scratch_types=[
            pltpu.VMEM((RCHUNKS, CL), jnp.int32),
            pltpu.VMEM((RCHUNKS, CL), jnp.int32),
        ] + [pltpu.VMEM((NPAD,), jnp.float32)] * (2 * NF),
    )(ht, src_g, dst_g)


def _hraw_kernel(wt_ref, ft_ref, h_ref):
    h_ref[...] = jnp.dot(wt_ref[...], ft_ref[...],
                         preferred_element_type=jnp.float32)


def _h_raw_t(WT, features_t):
    bn = 2048
    grid = NPAD // bn
    return pl.pallas_call(
        _hraw_kernel,
        grid=(grid,),
        in_specs=[
            pl.BlockSpec((D_H, D_IN), lambda i: (0, 0)),
            pl.BlockSpec((D_IN, bn), lambda i: (0, i)),
        ],
        out_specs=pl.BlockSpec((D_H, bn), lambda i: (0, i)),
        out_shape=jax.ShapeDtypeStruct((D_H, NPAD), jnp.float32),
    )(WT, features_t)


def _scale_kernel(h_ref, degs_ref, o_ref):
    deg = jnp.sum(degs_ref[0], axis=0)
    norm = lax.rsqrt(jnp.clip(deg, 1.0, None))
    o_ref[...] = h_ref[...] * norm[None, :]


def _h_scale_t(ht_raw, degs):
    bn = 2048
    grid = NPAD // bn
    return pl.pallas_call(
        _scale_kernel,
        grid=(grid,),
        in_specs=[
            pl.BlockSpec((D_H, bn), lambda i: (0, i)),
            pl.BlockSpec((2, NW, bn), lambda i: (0, 0, i)),
        ],
        out_specs=pl.BlockSpec((D_H, bn), lambda i: (0, i)),
        out_shape=jax.ShapeDtypeStruct((D_H, NPAD), jnp.float32),
    )(ht_raw, degs)


def _xt_kernel(aggp_ref, degs_ref, b_ref, xt_ref):
    aggt = jnp.sum(aggp_ref[...], axis=0)
    deg = jnp.sum(degs_ref[1], axis=0)
    norm = lax.rsqrt(jnp.clip(deg, 1.0, None))
    xt = aggt * norm[None, :] + b_ref[...][:, None]
    xt_ref[...] = xt[:, :N]


def _make_xt(aggp, degs, b):
    return pl.pallas_call(
        _xt_kernel,
        out_shape=jax.ShapeDtypeStruct((D_H, N), jnp.float32),
    )(aggp, degs, b)


def _adj_kernel(x_ref, xt_ref, o_ref):
    o_ref[...] = jnp.dot(x_ref[...], xt_ref[...],
                         preferred_element_type=jnp.float32)


def _decode(x, xt):
    bm = 2048
    bn = 2048
    gi = (N + bm - 1) // bm
    gj = (N + bn - 1) // bn
    return pl.pallas_call(
        _adj_kernel,
        grid=(gi, gj),
        in_specs=[
            pl.BlockSpec((bm, D_H), lambda i, j: (i, 0)),
            pl.BlockSpec((D_H, bn), lambda i, j: (0, j)),
        ],
        out_specs=pl.BlockSpec((bm, bn), lambda i, j: (i, j)),
        out_shape=jax.ShapeDtypeStruct((N, N), jnp.float32),
        compiler_params=pltpu.CompilerParams(
            vmem_limit_bytes=100 * 1024 * 1024),
    )(x, xt)


@jax.jit
def kernel(features, edge_index, W, b):
    src = edge_index[0]
    dst = edge_index[1]
    pad = jnp.full((EP - E,), N, dtype=jnp.int32)
    src_flat = jnp.concatenate([src, pad])
    dst_flat = jnp.concatenate([dst, pad])
    src_w = src_flat.reshape(NW, CHUNKS, CL)
    dst_w = dst_flat.reshape(NW, CHUNKS, CL)
    src_g = src_flat.reshape(NG, GCHUNKS, CL)
    dst_g = dst_flat.reshape(NG, GCHUNKS, CL)
    features_t = jnp.concatenate(
        [features, jnp.zeros((NPAD - N, D_IN), jnp.float32)], axis=0).T

    ht_raw = _h_raw_t(W.T, features_t)
    degs = _degrees(src_w, dst_w)
    ht = _h_scale_t(ht_raw, degs)
    aggp = _aggregate(ht, src_g, dst_g)
    xt = _make_xt(aggp, degs, b)
    x = xt.T
    adj = _decode(x, xt)
    return (adj, x)

# --- scband reference (transcript-rebuilt; emitter-appended) ---
"""Pipeline reference for scband-gae-2207613190407 (READ-ONLY COPY).

The authoritative reference and input builder live on the scoring server;
editing this copy changes nothing except your own understanding.
"""

import jax, jax.numpy as jnp
import numpy as np

N = 10000
E = 320000
D_IN = 128
D_H = 16

def setup_inputs(seed: int = 0) -> dict:
    key = jax.random.key(seed)
    k1, k2, k3 = jax.random.split(key, 3)
    features = jax.random.normal(k1, (N, D_IN), dtype=jnp.float32)
    edge_index = jax.random.randint(k2, (2, E), 0, N, dtype=jnp.int32)
    # GraphConv weight (glorot-ish) and bias; since in_feats > out_feats DGL applies W before aggregation
    W = jax.random.normal(k3, (D_IN, D_H), dtype=jnp.float32) * (1.0 / np.sqrt(D_IN))
    b = jnp.zeros((D_H,), dtype=jnp.float32)
    return {"features": features, "edge_index": edge_index, "W": W, "b": b}

def reference(features, edge_index, W, b):
    # GAE with a single GraphConv block (norm='both', activation=None), eval mode (dropout = identity)
    src = edge_index[0]
    dst = edge_index[1]
    ones = jnp.ones((E,), dtype=jnp.float32)
    deg_out = jax.ops.segment_sum(ones, src, num_segments=N)
    deg_in = jax.ops.segment_sum(ones, dst, num_segments=N)
    norm_src = jnp.power(jnp.clip(deg_out, 1.0, None), -0.5)
    norm_dst = jnp.power(jnp.clip(deg_in, 1.0, None), -0.5)
    # weight first (in_feats > out_feats), then D^{-1/2} A D^{-1/2}
    h = features @ W
    h = h * norm_src[:, None]
    msgs = jnp.take(h, src, axis=0)              # gather along edges
    agg = jax.ops.segment_sum(msgs, dst, num_segments=N)  # scatter-add to dst
    x = agg * norm_dst[:, None] + b
    # InnerProductDecoder with activation = identity (lambda x: x), dropout identity in eval
    adj_rec = x @ x.T
    return (adj_rec, x)

if __name__ == "__main__":
    import jax
    _d = setup_inputs()
    print(jax.jit(kernel)(*tuple(_d.values())))

</pallas_src>

<mosaic_0001>
#map = affine_map<(d0, d1) -> (0, 0, 0)>
module attributes {stable_mosaic.version = 14 : i64} {
  func.func @_deg_body(%arg0: i32, %arg1: i32, %arg2: memref<32x80x128xi32, #tpu.memory_space<hbm>>, %arg3: memref<32x80x128xi32, #tpu.memory_space<hbm>>, %arg4: memref<2x32x10240xf32, #tpu.memory_space<hbm>>, %arg5: memref<80x128xi32, #tpu.memory_space<vmem>>, %arg6: memref<80x128xi32, #tpu.memory_space<vmem>>, %arg7: memref<10240xf32, #tpu.memory_space<vmem>>, %arg8: memref<10240xf32, #tpu.memory_space<vmem>>) attributes {dimension_semantics = [#tpu.dimension_semantics<core_parallel>, #tpu.dimension_semantics<subcore_parallel>], iteration_bounds = array<i64: 2, 16>, scalar_prefetch = 0 : i64, scratch_operands = 4 : i64, tpu.core_type = #tpu.core_type<sc_vector_subcore>, window_params = [{transform_indices = #map}, {transform_indices = #map}, {transform_indices = #map}]} {
    %mul3A = arith.constant 16 : i32
    %mul3A_0 = arith.muli %arg0, %mul3A : i32
    %add3A = arith.addi %mul3A_0, %arg1 : i32
    %broadcast_in_dim3A = arith.constant 0.000000e+00 : f32
    %broadcast_in_dim3A_1 = vector.broadcast %broadcast_in_dim3A : f32 to vector<16xf32>
    %parallel_loop3A = arith.constant 0 : i32
    %parallel_loop3A_2 = arith.constant 640 : i32
    %parallel_loop3A_3 = arith.constant 1 : i32
    scf.for %parallel_loop3A_10 = %parallel_loop3A to %parallel_loop3A_2 step %parallel_loop3A_3  : i32 {
      %parallel_loop3A_11 = arith.constant 16 : i32
      %parallel_loop3A_12 = arith.muli %parallel_loop3A_10, %parallel_loop3A_11 : i32
      %parallel_loop3A_13 = arith.index_cast %parallel_loop3A_12 : i32 to index
      %parallel_loop3A_14 = tpu.vector_load %arg7[%parallel_loop3A_13] {strides = array<i32>} : memref<10240xf32, #tpu.memory_space<vmem>>, vector<16xf32>,
      tpu.vector_store %arg7[%parallel_loop3A_13], %broadcast_in_dim3A_1 {strides = array<i32>} : memref<10240xf32, #tpu.memory_space<vmem>>, vector<16xf32>,
      %parallel_loop3A_15 = arith.constant 16 : i32
      %parallel_loop3A_16 = arith.muli %parallel_loop3A_10, %parallel_loop3A_15 : i32
      %parallel_loop3A_17 = arith.index_cast %parallel_loop3A_16 : i32 to index
      %parallel_loop3A_18 = tpu.vector_load %arg8[%parallel_loop3A_17] {strides = array<i32>} : memref<10240xf32, #tpu.memory_space<vmem>>, vector<16xf32>,
      tpu.vector_store %arg8[%parallel_loop3A_17], %broadcast_in_dim3A_1 {strides = array<i32>} : memref<10240xf32, #tpu.memory_space<vmem>>, vector<16xf32>,
    } {sc.loop_unroll_factor = 4 : i64, sc.parallel_access}
    "tpu.region"() ({
      %run_scoped3A_10 = tpu.sem_alloc : memref<!tpu.dma_semaphore, #tpu.memory_space<semaphore_mem>>
      %dma_start3A = arith.constant 0 : i32
      %dma_start3A_11 = arith.constant 0 : i32
      %dma_start3A_12 = tpu.memref_slice %arg2[%add3A, %dma_start3A, %dma_start3A_11] : memref<32x80x128xi32, #tpu.memory_space<hbm>> -> memref<1x80x128xi32, #tpu.memory_space<hbm>>
      %dma_start3A_13 = tpu.memref_squeeze %dma_start3A_12 : memref<1x80x128xi32, #tpu.memory_space<hbm>> -> memref<80x128xi32, #tpu.memory_space<hbm>>
      %dma_start3A_14 = arith.constant 0 : i32
      %dma_start3A_15 = arith.constant 0 : i32
      %dma_start3A_16 = tpu.memref_slice %arg2[%add3A, %dma_start3A_14, %dma_start3A_15] : memref<32x80x128xi32, #tpu.memory_space<hbm>> -> memref<1x80x128xi32, #tpu.memory_space<hbm>>
      %dma_start3A_17 = tpu.memref_squeeze %dma_start3A_16 : memref<1x80x128xi32, #tpu.memory_space<hbm>> -> memref<80x128xi32, #tpu.memory_space<hbm>>
      tpu.enqueue_dma source(%dma_start3A_17 : memref<80x128xi32, #tpu.memory_space<hbm>>) target(%arg5 : memref<80x128xi32, #tpu.memory_space<vmem>>) target_semaphore(%run_scoped3A_10 : memref<!tpu.dma_semaphore, #tpu.memory_space<semaphore_mem>>)
      %dma_wait3A = arith.constant 0 : i32
      %dma_wait3A_18 = arith.constant 0 : i32
      %dma_wait3A_19 = tpu.memref_slice %arg2[%add3A, %dma_wait3A, %dma_wait3A_18] : memref<32x80x128xi32, #tpu.memory_space<hbm>> -> memref<1x80x128xi32, #tpu.memory_space<hbm>>
      %dma_wait3A_20 = tpu.memref_squeeze %dma_wait3A_19 : memref<1x80x128xi32, #tpu.memory_space<hbm>> -> memref<80x128xi32, #tpu.memory_space<hbm>>
      %dma_wait3A_21 = arith.constant 0 : i32
      %dma_wait3A_22 = arith.constant 0 : i32
      %dma_wait3A_23 = tpu.memref_slice %arg2[%add3A, %dma_wait3A_21, %dma_wait3A_22] : memref<32x80x128xi32, #tpu.memory_space<hbm>> -> memref<1x80x128xi32, #tpu.memory_space<hbm>>
      %dma_wait3A_24 = tpu.memref_squeeze %dma_wait3A_23 : memref<1x80x128xi32, #tpu.memory_space<hbm>> -> memref<80x128xi32, #tpu.memory_space<hbm>>
      tpu.wait_dma2 semaphore(%run_scoped3A_10 : memref<!tpu.dma_semaphore, #tpu.memory_space<semaphore_mem>>) src(%dma_wait3A_24 : memref<80x128xi32, #tpu.memory_space<hbm>>) dst(%arg5 : memref<80x128xi32, #tpu.memory_space<vmem>>)
      tpu.yield
    }) : () -> ()
    "tpu.region"() ({
      %run_scoped3A_10 = tpu.sem_alloc : memref<!tpu.dma_semaphore, #tpu.memory_space<semaphore_mem>>
      %dma_start3A = arith.constant 0 : i32
      %dma_start3A_11 = arith.constant 0 : i32
      %dma_start3A_12 = tpu.memref_slice %arg3[%add3A, %dma_start3A, %dma_start3A_11] : memref<32x80x128xi32, #tpu.memory_space<hbm>> -> memref<1x80x128xi32, #tpu.memory_space<hbm>>
      %dma_start3A_13 = tpu.memref_squeeze %dma_start3A_12 : memref<1x80x128xi32, #tpu.memory_space<hbm>> -> memref<80x128xi32, #tpu.memory_space<hbm>>
      %dma_start3A_14 = arith.constant 0 : i32
      %dma_start3A_15 = arith.constant 0 : i32
      %dma_start3A_16 = tpu.memref_slice %arg3[%add3A, %dma_start3A_14, %dma_start3A_15] : memref<32x80x128xi32, #tpu.memory_space<hbm>> -> memref<1x80x128xi32, #tpu.memory_space<hbm>>
      %dma_start3A_17 = tpu.memref_squeeze %dma_start3A_16 : memref<1x80x128xi32, #tpu.memory_space<hbm>> -> memref<80x128xi32, #tpu.memory_space<hbm>>
      tpu.enqueue_dma source(%dma_start3A_17 : memref<80x128xi32, #tpu.memory_space<hbm>>) target(%arg6 : memref<80x128xi32, #tpu.memory_space<vmem>>) target_semaphore(%run_scoped3A_10 : memref<!tpu.dma_semaphore, #tpu.memory_space<semaphore_mem>>)
      %dma_wait3A = arith.constant 0 : i32
      %dma_wait3A_18 = arith.constant 0 : i32
      %dma_wait3A_19 = tpu.memref_slice %arg3[%add3A, %dma_wait3A, %dma_wait3A_18] : memref<32x80x128xi32, #tpu.memory_space<hbm>> -> memref<1x80x128xi32, #tpu.memory_space<hbm>>
      %dma_wait3A_20 = tpu.memref_squeeze %dma_wait3A_19 : memref<1x80x128xi32, #tpu.memory_space<hbm>> -> memref<80x128xi32, #tpu.memory_space<hbm>>
      %dma_wait3A_21 = arith.constant 0 : i32
      %dma_wait3A_22 = arith.constant 0 : i32
      %dma_wait3A_23 = tpu.memref_slice %arg3[%add3A, %dma_wait3A_21, %dma_wait3A_22] : memref<32x80x128xi32, #tpu.memory_space<hbm>> -> memref<1x80x128xi32, #tpu.memory_space<hbm>>
      %dma_wait3A_24 = tpu.memref_squeeze %dma_wait3A_23 : memref<1x80x128xi32, #tpu.memory_space<hbm>> -> memref<80x128xi32, #tpu.memory_space<hbm>>
      tpu.wait_dma2 semaphore(%run_scoped3A_10 : memref<!tpu.dma_semaphore, #tpu.memory_space<semaphore_mem>>) src(%dma_wait3A_24 : memref<80x128xi32, #tpu.memory_space<hbm>>) dst(%arg6 : memref<80x128xi32, #tpu.memory_space<vmem>>)
      tpu.yield
    }) : () -> ()
    %broadcast_in_dim3A_4 = arith.constant 1.000000e+00 : f32
    %broadcast_in_dim3A_5 = vector.broadcast %broadcast_in_dim3A_4 : f32 to vector<16xf32>
    %parallel_loop3A_6 = arith.constant 0 : i32
    %parallel_loop3A_7 = arith.constant 80 : i32
    %parallel_loop3A_8 = arith.constant 1 : i32
    scf.for %parallel_loop3A_10 = %parallel_loop3A_6 to %parallel_loop3A_7 step %parallel_loop3A_8  : i32 {
      %parallel_loop3A_11 = arith.index_cast %parallel_loop3A_10 : i32 to index
      %parallel_loop3A_12 = arith.constant 0 : index
      %parallel_loop3A_13 = tpu.vector_load %arg5[%parallel_loop3A_11, %parallel_loop3A_12] {strides = array<i32>} : memref<80x128xi32, #tpu.memory_space<vmem>>, vector<16xi32>,
      %parallel_loop3A_14 = arith.index_cast %parallel_loop3A_10 : i32 to index
      %parallel_loop3A_15 = arith.constant 0 : index
      %parallel_loop3A_16 = tpu.vector_load %arg6[%parallel_loop3A_14, %parallel_loop3A_15] {strides = array<i32>} : memref<80x128xi32, #tpu.memory_space<vmem>>, vector<16xi32>,
      tpu.vector_store_idx %arg7[%parallel_loop3A_13], %broadcast_in_dim3A_5 {add = true} : memref<10240xf32, #tpu.memory_space<vmem>>[vector<16xi32>], vector<16xf32>,
      tpu.vector_store_idx %arg8[%parallel_loop3A_16], %broadcast_in_dim3A_5 {add = true} : memref<10240xf32, #tpu.memory_space<vmem>>[vector<16xi32>], vector<16xf32>,
      %parallel_loop3A_17 = arith.index_cast %parallel_loop3A_10 : i32 to index
      %parallel_loop3A_18 = arith.constant 16 : index
      %parallel_loop3A_19 = tpu.vector_load %arg5[%parallel_loop3A_17, %parallel_loop3A_18] {strides = array<i32>} : memref<80x128xi32, #tpu.memory_space<vmem>>, vector<16xi32>,
      %parallel_loop3A_20 = arith.index_cast %parallel_loop3A_10 : i32 to index
      %parallel_loop3A_21 = arith.constant 16 : index
      %parallel_loop3A_22 = tpu.vector_load %arg6[%parallel_loop3A_20, %parallel_loop3A_21] {strides = array<i32>} : memref<80x128xi32, #tpu.memory_space<vmem>>, vector<16xi32>,
      tpu.vector_store_idx %arg7[%parallel_loop3A_19], %broadcast_in_dim3A_5 {add = true} : memref<10240xf32, #tpu.memory_space<vmem>>[vector<16xi32>], vector<16xf32>,
      tpu.vector_store_idx %arg8[%parallel_loop3A_22], %broadcast_in_dim3A_5 {add = true} : memref<10240xf32, #tpu.memory_space<vmem>>[vector<16xi32>], vector<16xf32>,
      %parallel_loop3A_23 = arith.index_cast %parallel_loop3A_10 : i32 to index
      %parallel_loop3A_24 = arith.constant 32 : index
      %parallel_loop3A_25 = tpu.vector_load %arg5[%parallel_loop3A_23, %parallel_loop3A_24] {strides = array<i32>} : memref<80x128xi32, #tpu.memory_space<vmem>>, vector<16xi32>,
      %parallel_loop3A_26 = arith.index_cast %parallel_loop3A_10 : i32 to index
      %parallel_loop3A_27 = arith.constant 32 : index
      %parallel_loop3A_28 = tpu.vector_load %arg6[%parallel_loop3A_26, %parallel_loop3A_27] {strides = array<i32>} : memref<80x128xi32, #tpu.memory_space<vmem>>, vector<16xi32>,
      tpu.vector_store_idx %arg7[%parallel_loop3A_25], %broadcast_in_dim3A_5 {add = true} : memref<10240xf32, #tpu.memory_space<vmem>>[vector<16xi32>], vector<16xf32>,
      tpu.vector_store_idx %arg8[%parallel_loop3A_28], %broadcast_in_dim3A_5 {add = true} : memref<10240xf32, #tpu.memory_space<vmem>>[vector<16xi32>], vector<16xf32>,
      %parallel_loop3A_29 = arith.index_cast %parallel_loop3A_10 : i32 to index
      %parallel_loop3A_30 = arith.constant 48 : index
      %parallel_loop3A_31 = tpu.vector_load %arg5[%parallel_loop3A_29, %parallel_loop3A_30] {strides = array<i32>} : memref<80x128xi32, #tpu.memory_space<vmem>>, vector<16xi32>,
      %parallel_loop3A_32 = arith.index_cast %parallel_loop3A_10 : i32 to index
      %parallel_loop3A_33 = arith.constant 48 : index
      %parallel_loop3A_34 = tpu.vector_load %arg6[%parallel_loop3A_32, %parallel_loop3A_33] {strides = array<i32>} : memref<80x128xi32, #tpu.memory_space<vmem>>, vector<16xi32>,
      tpu.vector_store_idx %arg7[%parallel_loop3A_31], %broadcast_in_dim3A_5 {add = true} : memref<10240xf32, #tpu.memory_space<vmem>>[vector<16xi32>], vector<16xf32>,
      tpu.vector_store_idx %arg8[%parallel_loop3A_34], %broadcast_in_dim3A_5 {add = true} : memref<10240xf32, #tpu.memory_space<vmem>>[vector<16xi32>], vector<16xf32>,
      %parallel_loop3A_35 = arith.index_cast %parallel_loop3A_10 : i32 to index
      %parallel_loop3A_36 = arith.constant 64 : index
      %parallel_loop3A_37 = tpu.vector_load %arg5[%parallel_loop3A_35, %parallel_loop3A_36] {strides = array<i32>} : memref<80x128xi32, #tpu.memory_space<vmem>>, vector<16xi32>,
      %parallel_loop3A_38 = arith.index_cast %parallel_loop3A_10 : i32 to index
      %parallel_loop3A_39 = arith.constant 64 : index
      %parallel_loop3A_40 = tpu.vector_load %arg6[%parallel_loop3A_38, %parallel_loop3A_39] {strides = array<i32>} : memref<80x128xi32, #tpu.memory_space<vmem>>, vector<16xi32>,
      tpu.vector_store_idx %arg7[%parallel_loop3A_37], %broadcast_in_dim3A_5 {add = true} : memref<10240xf32, #tpu.memory_space<vmem>>[vector<16xi32>], vector<16xf32>,
      tpu.vector_store_idx %arg8[%parallel_loop3A_40], %broadcast_in_dim3A_5 {add = true} : memref<10240xf32, #tpu.memory_space<vmem>>[vector<16xi32>], vector<16xf32>,
      %parallel_loop3A_41 = arith.index_cast %parallel_loop3A_10 : i32 to index
      %parallel_loop3A_42 = arith.constant 80 : index
      %parallel_loop3A_43 = tpu.vector_load %arg5[%parallel_loop3A_41, %parallel_loop3A_42] {strides = array<i32>} : memref<80x128xi32, #tpu.memory_space<vmem>>, vector<16xi32>,
      %parallel_loop3A_44 = arith.index_cast %parallel_loop3A_10 : i32 to index
      %parallel_loop3A_45 = arith.constant 80 : index
      %parallel_loop3A_46 = tpu.vector_load %arg6[%parallel_loop3A_44, %parallel_loop3A_45] {strides = array<i32>} : memref<80x128xi32, #tpu.memory_space<vmem>>, vector<16xi32>,
      tpu.vector_store_idx %arg7[%parallel_loop3A_43], %broadcast_in_dim3A_5 {add = true} : memref<10240xf32, #tpu.memory_space<vmem>>[vector<16xi32>], vector<16xf32>,
      tpu.vector_store_idx %arg8[%parallel_loop3A_46], %broadcast_in_dim3A_5 {add = true} : memref<10240xf32, #tpu.memory_space<vmem>>[vector<16xi32>], vector<16xf32>,
      %parallel_loop3A_47 = arith.index_cast %parallel_loop3A_10 : i32 to index
      %parallel_loop3A_48 = arith.constant 96 : index
      %parallel_loop3A_49 = tpu.vector_load %arg5[%parallel_loop3A_47, %parallel_loop3A_48] {strides = array<i32>} : memref<80x128xi32, #tpu.memory_space<vmem>>, vector<16xi32>,
      %parallel_loop3A_50 = arith.index_cast %parallel_loop3A_10 : i32 to index
      %parallel_loop3A_51 = arith.constant 96 : index
      %parallel_loop3A_52 = tpu.vector_load %arg6[%parallel_loop3A_50, %parallel_loop3A_51] {strides = array<i32>} : memref<80x128xi32, #tpu.memory_space<vmem>>, vector<16xi32>,
      tpu.vector_store_idx %arg7[%parallel_loop3A_49], %broadcast_in_dim3A_5 {add = true} : memref<10240xf32, #tpu.memory_space<vmem>>[vector<16xi32>], vector<16xf32>,
      tpu.vector_store_idx %arg8[%parallel_loop3A_52], %broadcast_in_dim3A_5 {add = true} : memref<10240xf32, #tpu.memory_space<vmem>>[vector<16xi32>], vector<16xf32>,
      %parallel_loop3A_53 = arith.index_cast %parallel_loop3A_10 : i32 to index
      %parallel_loop3A_54 = arith.constant 112 : index
      %parallel_loop3A_55 = tpu.vector_load %arg5[%parallel_loop3A_53, %parallel_loop3A_54] {strides = array<i32>} : memref<80x128xi32, #tpu.memory_space<vmem>>, vector<16xi32>,
      %parallel_loop3A_56 = arith.index_cast %parallel_loop3A_10 : i32 to index
      %parallel_loop3A_57 = arith.constant 112 : index
      %parallel_loop3A_58 = tpu.vector_load %arg6[%parallel_loop3A_56, %parallel_loop3A_57] {strides = array<i32>} : memref<80x128xi32, #tpu.memory_space<vmem>>, vector<16xi32>,
      tpu.vector_store_idx %arg7[%parallel_loop3A_55], %broadcast_in_dim3A_5 {add = true} : memref<10240xf32, #tpu.memory_space<vmem>>[vector<16xi32>], vector<16xf32>,
      tpu.vector_store_idx %arg8[%parallel_loop3A_58], %broadcast_in_dim3A_5 {add = true} : memref<10240xf32, #tpu.memory_space<vmem>>[vector<16xi32>], vector<16xf32>,
    } {sc.loop_unroll_factor = 2 : i64, sc.parallel_access}
    %run_scoped3A = arith.constant 0 : i32
    "tpu.region"() ({
      %run_scoped3A_10 = tpu.sem_alloc : memref<!tpu.dma_semaphore, #tpu.memory_space<semaphore_mem>>
      %dma_start3A = arith.constant 0 : i32
      %dma_start3A_11 = tpu.memref_slice %arg4[%run_scoped3A, %add3A, %dma_start3A] : memref<2x32x10240xf32, #tpu.memory_space<hbm>> -> memref<1x1x10240xf32, #tpu.memory_space<hbm>>
      %dma_start3A_12 = tpu.memref_squeeze %dma_start3A_11 : memref<1x1x10240xf32, #tpu.memory_space<hbm>> -> memref<10240xf32, #tpu.memory_space<hbm>>
      %dma_start3A_13 = arith.constant 0 : i32
      %dma_start3A_14 = tpu.memref_slice %arg4[%run_scoped3A, %add3A, %dma_start3A_13] : memref<2x32x10240xf32, #tpu.memory_space<hbm>> -> memref<1x1x10240xf32, #tpu.memory_space<hbm>>
      %dma_start3A_15 = tpu.memref_squeeze %dma_start3A_14 : memref<1x1x10240xf32, #tpu.memory_space<hbm>> -> memref<10240xf32, #tpu.memory_space<hbm>>
      tpu.enqueue_dma source(%arg7 : memref<10240xf32, #tpu.memory_space<vmem>>) target(%dma_start3A_15 : memref<10240xf32, #tpu.memory_space<hbm>>) target_semaphore(%run_scoped3A_10 : memref<!tpu.dma_semaphore, #tpu.memory_space<semaphore_mem>>)
      %dma_wait3A = arith.constant 0 : i32
      %dma_wait3A_16 = tpu.memref_slice %arg4[%run_scoped3A, %add3A, %dma_wait3A] : memref<2x32x10240xf32, #tpu.memory_space<hbm>> -> memref<1x1x10240xf32, #tpu.memory_space<hbm>>
      %dma_wait3A_17 = tpu.memref_squeeze %dma_wait3A_16 : memref<1x1x10240xf32, #tpu.memory_space<hbm>> -> memref<10240xf32, #tpu.memory_space<hbm>>
      %dma_wait3A_18 = arith.constant 0 : i32
      %dma_wait3A_19 = tpu.memref_slice %arg4[%run_scoped3A, %add3A, %dma_wait3A_18] : memref<2x32x10240xf32, #tpu.memory_space<hbm>> -> memref<1x1x10240xf32, #tpu.memory_space<hbm>>
      %dma_wait3A_20 = tpu.memref_squeeze %dma_wait3A_19 : memref<1x1x10240xf32, #tpu.memory_space<hbm>> -> memref<10240xf32, #tpu.memory_space<hbm>>
      tpu.wait_dma2 semaphore(%run_scoped3A_10 : memref<!tpu.dma_semaphore, #tpu.memory_space<semaphore_mem>>) src(%arg7 : memref<10240xf32, #tpu.memory_space<vmem>>) dst(%dma_wait3A_20 : memref<10240xf32, #tpu.memory_space<hbm>>)
      tpu.yield
    }) : () -> ()
    %run_scoped3A_9 = arith.constant 1 : i32
    "tpu.region"() ({
      %run_scoped3A_10 = tpu.sem_alloc : memref<!tpu.dma_semaphore, #tpu.memory_space<semaphore_mem>>
      %dma_start3A = arith.constant 0 : i32
      %dma_start3A_11 = tpu.memref_slice %arg4[%run_scoped3A_9, %add3A, %dma_start3A] : memref<2x32x10240xf32, #tpu.memory_space<hbm>> -> memref<1x1x10240xf32, #tpu.memory_space<hbm>>
      %dma_start3A_12 = tpu.memref_squeeze %dma_start3A_11 : memref<1x1x10240xf32, #tpu.memory_space<hbm>> -> memref<10240xf32, #tpu.memory_space<hbm>>
      %dma_start3A_13 = arith.constant 0 : i32
      %dma_start3A_14 = tpu.memref_slice %arg4[%run_scoped3A_9, %add3A, %dma_start3A_13] : memref<2x32x10240xf32, #tpu.memory_space<hbm>> -> memref<1x1x10240xf32, #tpu.memory_space<hbm>>
      %dma_start3A_15 = tpu.memref_squeeze %dma_start3A_14 : memref<1x1x10240xf32, #tpu.memory_space<hbm>> -> memref<10240xf32, #tpu.memory_space<hbm>>
      tpu.enqueue_dma source(%arg8 : memref<10240xf32, #tpu.memory_space<vmem>>) target(%dma_start3A_15 : memref<10240xf32, #tpu.memory_space<hbm>>) target_semaphore(%run_scoped3A_10 : memref<!tpu.dma_semaphore, #tpu.memory_space<semaphore_mem>>)
      %dma_wait3A = arith.constant 0 : i32
      %dma_wait3A_16 = tpu.memref_slice %arg4[%run_scoped3A_9, %add3A, %dma_wait3A] : memref<2x32x10240xf32, #tpu.memory_space<hbm>> -> memref<1x1x10240xf32, #tpu.memory_space<hbm>>
      %dma_wait3A_17 = tpu.memref_squeeze %dma_wait3A_16 : memref<1x1x10240xf32, #tpu.memory_space<hbm>> -> memref<10240xf32, #tpu.memory_space<hbm>>
      %dma_wait3A_18 = arith.constant 0 : i32
      %dma_wait3A_19 = tpu.memref_slice %arg4[%run_scoped3A_9, %add3A, %dma_wait3A_18] : memref<2x32x10240xf32, #tpu.memory_space<hbm>> -> memref<1x1x10240xf32, #tpu.memory_space<hbm>>
      %dma_wait3A_20 = tpu.memref_squeeze %dma_wait3A_19 : memref<1x1x10240xf32, #tpu.memory_space<hbm>> -> memref<10240xf32, #tpu.memory_space<hbm>>
      tpu.wait_dma2 semaphore(%run_scoped3A_10 : memref<!tpu.dma_semaphore, #tpu.memory_space<semaphore_mem>>) src(%arg8 : memref<10240xf32, #tpu.memory_space<vmem>>) dst(%dma_wait3A_20 : memref<10240xf32, #tpu.memory_space<hbm>>)
      tpu.yield
    }) : () -> ()
    return
  }
}

#map = affine_map<(d0, d1) -> (0, 0)>
#map1 = affine_map<(d0, d1) -> (0, 0, 0)>
module attributes {stable_mosaic.version = 14 : i64} {
  func.func @_agg_body(%arg0: i32, %arg1: i32, %arg2: memref<16x10240xf32, #tpu.memory_space<hbm>>, %arg3: memref<8x320x128xi32, #tpu.memory_space<hbm>>, %arg4: memref<8x320x128xi32, #tpu.memory_space<hbm>>, %arg5: memref<8x16x10240xf32, #tpu.memory_space<hbm>>, %arg6: memref<80x128xi32, #tpu.memory_space<vmem>>, %arg7: memref<80x128xi32, #tpu.memory_space<vmem>>, %arg8: memref<10240xf32, #tpu.memory_space<vmem>>, %arg9: memref<10240xf32, #tpu.memory_space<vmem>>, %arg10: memref<10240xf32, #tpu.memory_space<vmem>>, %arg11: memref<10240xf32, #tpu.memory_space<vmem>>, %arg12: memref<10240xf32, #tpu.memory_space<vmem>>, %arg13: memref<10240xf32, #tpu.memory_space<vmem>>, %arg14: memref<10240xf32, #tpu.memory_space<vmem>>, %arg15: memref<10240xf32, #tpu.memory_space<vmem>>) attributes {dimension_semantics = [#tpu.dimension_semantics<core_parallel>, #tpu.dimension_semantics<subcore_parallel>], iteration_bounds = array<i64: 2, 16>, scalar_prefetch = 0 : i64, scratch_operands = 10 : i64, tpu.core_type = #tpu.core_type<sc_vector_subcore>, window_params = [{transform_indices = #map}, {transform_indices = #map1}, {transform_indices = #map1}, {transform_indices = #map1}]} {
    %mul3A = arith.constant 16 : i32
    %mul3A_0 = arith.muli %arg0, %mul3A : i32
    %add3A = arith.addi %mul3A_0, %arg1 : i32
    %rem3A = arith.constant 8 : i32
    %rem3A_1 = arith.remsi %add3A, %rem3A : i32
    %div3A = arith.constant 8 : i32
    %div3A_2 = arith.divsi %add3A, %div3A : i32
    %broadcast_in_dim3A = arith.constant 0.000000e+00 : f32
    %broadcast_in_dim3A_3 = vector.broadcast %broadcast_in_dim3A : f32 to vector<16xf32>
    %parallel_loop3A = arith.constant 0 : i32
    %parallel_loop3A_4 = arith.constant 640 : i32
    %parallel_loop3A_5 = arith.constant 1 : i32
    scf.for %parallel_loop3A_43 = %parallel_loop3A to %parallel_loop3A_4 step %parallel_loop3A_5  : i32 {
      %parallel_loop3A_44 = arith.constant 16 : i32
      %parallel_loop3A_45 = arith.muli %parallel_loop3A_43, %parallel_loop3A_44 : i32
      %parallel_loop3A_46 = arith.index_cast %parallel_loop3A_45 : i32 to index
      %parallel_loop3A_47 = tpu.vector_load %arg12[%parallel_loop3A_46] {strides = array<i32>} : memref<10240xf32, #tpu.memory_space<vmem>>, vector<16xf32>,
      tpu.vector_store %arg12[%parallel_loop3A_46], %broadcast_in_dim3A_3 {strides = array<i32>} : memref<10240xf32, #tpu.memory_space<vmem>>, vector<16xf32>,
      %parallel_loop3A_48 = arith.constant 16 : i32
      %parallel_loop3A_49 = arith.muli %parallel_loop3A_43, %parallel_loop3A_48 : i32
      %parallel_loop3A_50 = arith.index_cast %parallel_loop3A_49 : i32 to index
      %parallel_loop3A_51 = tpu.vector_load %arg13[%parallel_loop3A_50] {strides = array<i32>} : memref<10240xf32, #tpu.memory_space<vmem>>, vector<16xf32>,
      tpu.vector_store %arg13[%parallel_loop3A_50], %broadcast_in_dim3A_3 {strides = array<i32>} : memref<10240xf32, #tpu.memory_space<vmem>>, vector<16xf32>,
      %parallel_loop3A_52 = arith.constant 16 : i32
      %parallel_loop3A_53 = arith.muli %parallel_loop3A_43, %parallel_loop3A_52 : i32
      %parallel_loop3A_54 = arith.index_cast %parallel_loop3A_53 : i32 to index
      %parallel_loop3A_55 = tpu.vector_load %arg14[%parallel_loop3A_54] {strides = array<i32>} : memref<10240xf32, #tpu.memory_space<vmem>>, vector<16xf32>,
      tpu.vector_store %arg14[%parallel_loop3A_54], %broadcast_in_dim3A_3 {strides = array<i32>} : memref<10240xf32, #tpu.memory_space<vmem>>, vector<16xf32>,
      %parallel_loop3A_56 = arith.constant 16 : i32
      %parallel_loop3A_57 = arith.muli %parallel_loop3A_43, %parallel_loop3A_56 : i32
      %parallel_loop3A_58 = arith.index_cast %parallel_loop3A_57 : i32 to index
      %parallel_loop3A_59 = tpu.vector_load %arg15[%parallel_loop3A_58] {strides = array<i32>} : memref<10240xf32, #tpu.memory_space<vmem>>, vector<16xf32>,
      tpu.vector_store %arg15[%parallel_loop3A_58], %broadcast_in_dim3A_3 {strides = array<i32>} : memref<10240xf32, #tpu.memory_space<vmem>>, vector<16xf32>,
    } {sc.loop_unroll_factor = 4 : i64, sc.parallel_access}
    %mul3A_6 = arith.constant 4 : i32
    %mul3A_7 = arith.muli %div3A_2, %mul3A_6 : i32
    %add3A_8 = arith.constant 0 : i32
    %add3A_9 = arith.addi %mul3A_7, %add3A_8 : i32
    "tpu.region"() ({
      %run_scoped3A = tpu.sem_alloc : memref<!tpu.dma_semaphore, #tpu.memory_space<semaphore_mem>>
      %dma_start3A = arith.constant 0 : i32
      %dma_start3A_43 = tpu.memref_slice %arg2[%add3A_9, %dma_start3A] : memref<16x10240xf32, #tpu.memory_space<hbm>> -> memref<1x10240xf32, #tpu.memory_space<hbm>>
      %dma_start3A_44 = tpu.memref_squeeze %dma_start3A_43 : memref<1x10240xf32, #tpu.memory_space<hbm>> -> memref<10240xf32, #tpu.memory_space<hbm>>
      %dma_start3A_45 = arith.constant 0 : i32
      %dma_start3A_46 = tpu.memref_slice %arg2[%add3A_9, %dma_start3A_45] : memref<16x10240xf32, #tpu.memory_space<hbm>> -> memref<1x10240xf32, #tpu.memory_space<hbm>>
      %dma_start3A_47 = tpu.memref_squeeze %dma_start3A_46 : memref<1x10240xf32, #tpu.memory_space<hbm>> -> memref<10240xf32, #tpu.memory_space<hbm>>
      tpu.enqueue_dma source(%dma_start3A_47 : memref<10240xf32, #tpu.memory_space<hbm>>) target(%arg8 : memref<10240xf32, #tpu.memory_space<vmem>>) target_semaphore(%run_scoped3A : memref<!tpu.dma_semaphore, #tpu.memory_space<semaphore_mem>>)
      %dma_wait3A = arith.constant 0 : i32
      %dma_wait3A_48 = tpu.memref_slice %arg2[%add3A_9, %dma_wait3A] : memref<16x10240xf32, #tpu.memory_space<hbm>> -> memref<1x10240xf32, #tpu.memory_space<hbm>>
      %dma_wait3A_49 = tpu.memref_squeeze %dma_wait3A_48 : memref<1x10240xf32, #tpu.memory_space<hbm>> -> memref<10240xf32, #tpu.memory_space<hbm>>
      %dma_wait3A_50 = arith.constant 0 : i32
      %dma_wait3A_51 = tpu.memref_slice %arg2[%add3A_9, %dma_wait3A_50] : memref<16x10240xf32, #tpu.memory_space<hbm>> -> memref<1x10240xf32, #tpu.memory_space<hbm>>
      %dma_wait3A_52 = tpu.memref_squeeze %dma_wait3A_51 : memref<1x10240xf32, #tpu.memory_space<hbm>> -> memref<10240xf32, #tpu.memory_space<hbm>>
      tpu.wait_dma2 semaphore(%run_scoped3A : memref<!tpu.dma_semaphore, #tpu.memory_space<semaphore_mem>>) src(%dma_wait3A_52 : memref<10240xf32, #tpu.memory_space<hbm>>) dst(%arg8 : memref<10240xf32, #tpu.memory_space<vmem>>)
      tpu.yield
    }) : () -> ()
    %mul3A_10 = arith.constant 4 : i32
    %mul3A_11 = arith.muli %div3A_2, %mul3A_10 : i32
    %add3A_12 = arith.constant 1 : i32
    %add3A_13 = arith.addi %mul3A_11, %add3A_12 : i32
    "tpu.region"() ({
      %run_scoped3A = tpu.sem_alloc : memref<!tpu.dma_semaphore, #tpu.memory_space<semaphore_mem>>
      %dma_start3A = arith.constant 0 : i32
      %dma_start3A_43 = tpu.memref_slice %arg2[%add3A_13, %dma_start3A] : memref<16x10240xf32, #tpu.memory_space<hbm>> -> memref<1x10240xf32, #tpu.memory_space<hbm>>
      %dma_start3A_44 = tpu.memref_squeeze %dma_start3A_43 : memref<1x10240xf32, #tpu.memory_space<hbm>> -> memref<10240xf32, #tpu.memory_space<hbm>>
      %dma_start3A_45 = arith.constant 0 : i32
      %dma_start3A_46 = tpu.memref_slice %arg2[%add3A_13, %dma_start3A_45] : memref<16x10240xf32, #tpu.memory_space<hbm>> -> memref<1x10240xf32, #tpu.memory_space<hbm>>
      %dma_start3A_47 = tpu.memref_squeeze %dma_start3A_46 : memref<1x10240xf32, #tpu.memory_space<hbm>> -> memref<10240xf32, #tpu.memory_space<hbm>>
      tpu.enqueue_dma source(%dma_start3A_47 : memref<10240xf32, #tpu.memory_space<hbm>>) target(%arg9 : memref<10240xf32, #tpu.memory_space<vmem>>) target_semaphore(%run_scoped3A : memref<!tpu.dma_semaphore, #tpu.memory_space<semaphore_mem>>)
      %dma_wait3A = arith.constant 0 : i32
      %dma_wait3A_48 = tpu.memref_slice %arg2[%add3A_13, %dma_wait3A] : memref<16x10240xf32, #tpu.memory_space<hbm>> -> memref<1x10240xf32, #tpu.memory_space<hbm>>
      %dma_wait3A_49 = tpu.memref_squeeze %dma_wait3A_48 : memref<1x10240xf32, #tpu.memory_space<hbm>> -> memref<10240xf32, #tpu.memory_space<hbm>>
      %dma_wait3A_50 = arith.constant 0 : i32
      %dma_wait3A_51 = tpu.memref_slice %arg2[%add3A_13, %dma_wait3A_50] : memref<16x10240xf32, #tpu.memory_space<hbm>> -> memref<1x10240xf32, #tpu.memory_space<hbm>>
      %dma_wait3A_52 = tpu.memref_squeeze %dma_wait3A_51 : memref<1x10240xf32, #tpu.memory_space<hbm>> -> memref<10240xf32, #tpu.memory_space<hbm>>
      tpu.wait_dma2 semaphore(%run_scoped3A : memref<!tpu.dma_semaphore, #tpu.memory_space<semaphore_mem>>) src(%dma_wait3A_52 : memref<10240xf32, #tpu.memory_space<hbm>>) dst(%arg9 : memref<10240xf32, #tpu.memory_space<vmem>>)
      tpu.yield
    }) : () -> ()
    %mul3A_14 = arith.constant 4 : i32
    %mul3A_15 = arith.muli %div3A_2, %mul3A_14 : i32
    %add3A_16 = arith.constant 2 : i32
    %add3A_17 = arith.addi %mul3A_15, %add3A_16 : i32
    "tpu.region"() ({
      %run_scoped3A = tpu.sem_alloc : memref<!tpu.dma_semaphore, #tpu.memory_space<semaphore_mem>>
      %dma_start3A = arith.constant 0 : i32
      %dma_start3A_43 = tpu.memref_slice %arg2[%add3A_17, %dma_start3A] : memref<16x10240xf32, #tpu.memory_space<hbm>> -> memref<1x10240xf32, #tpu.memory_space<hbm>>
      %dma_start3A_44 = tpu.memref_squeeze %dma_start3A_43 : memref<1x10240xf32, #tpu.memory_space<hbm>> -> memref<10240xf32, #tpu.memory_space<hbm>>
      %dma_start3A_45 = arith.constant 0 : i32
      %dma_start3A_46 = tpu.memref_slice %arg2[%add3A_17, %dma_start3A_45] : memref<16x10240xf32, #tpu.memory_space<hbm>> -> memref<1x10240xf32, #tpu.memory_space<hbm>>
      %dma_start3A_47 = tpu.memref_squeeze %dma_start3A_46 : memref<1x10240xf32, #tpu.memory_space<hbm>> -> memref<10240xf32, #tpu.memory_space<hbm>>
      tpu.enqueue_dma source(%dma_start3A_47 : memref<10240xf32, #tpu.memory_space<hbm>>) target(%arg10 : memref<10240xf32, #tpu.memory_space<vmem>>) target_semaphore(%run_scoped3A : memref<!tpu.dma_semaphore, #tpu.memory_space<semaphore_mem>>)
      %dma_wait3A = arith.constant 0 : i32
      %dma_wait3A_48 = tpu.memref_slice %arg2[%add3A_17, %dma_wait3A] : memref<16x10240xf32, #tpu.memory_space<hbm>> -> memref<1x10240xf32, #tpu.memory_space<hbm>>
      %dma_wait3A_49 = tpu.memref_squeeze %dma_wait3A_48 : memref<1x10240xf32, #tpu.memory_space<hbm>> -> memref<10240xf32, #tpu.memory_space<hbm>>
      %dma_wait3A_50 = arith.constant 0 : i32
      %dma_wait3A_51 = tpu.memref_slice %arg2[%add3A_17, %dma_wait3A_50] : memref<16x10240xf32, #tpu.memory_space<hbm>> -> memref<1x10240xf32, #tpu.memory_space<hbm>>
      %dma_wait3A_52 = tpu.memref_squeeze %dma_wait3A_51 : memref<1x10240xf32, #tpu.memory_space<hbm>> -> memref<10240xf32, #tpu.memory_space<hbm>>
      tpu.wait_dma2 semaphore(%run_scoped3A : memref<!tpu.dma_semaphore, #tpu.memory_space<semaphore_mem>>) src(%dma_wait3A_52 : memref<10240xf32, #tpu.memory_space<hbm>>) dst(%arg10 : memref<10240xf32, #tpu.memory_space<vmem>>)
      tpu.yield
    }) : () -> ()
    %mul3A_18 = arith.constant 4 : i32
    %mul3A_19 = arith.muli %div3A_2, %mul3A_18 : i32
    %add3A_20 = arith.constant 3 : i32
    %add3A_21 = arith.addi %mul3A_19, %add3A_20 : i32
    "tpu.region"() ({
      %run_scoped3A = tpu.sem_alloc : memref<!tpu.dma_semaphore, #tpu.memory_space<semaphore_mem>>
      %dma_start3A = arith.constant 0 : i32
      %dma_start3A_43 = tpu.memref_slice %arg2[%add3A_21, %dma_start3A] : memref<16x10240xf32, #tpu.memory_space<hbm>> -> memref<1x10240xf32, #tpu.memory_space<hbm>>
      %dma_start3A_44 = tpu.memref_squeeze %dma_start3A_43 : memref<1x10240xf32, #tpu.memory_space<hbm>> -> memref<10240xf32, #tpu.memory_space<hbm>>
      %dma_start3A_45 = arith.constant 0 : i32
      %dma_start3A_46 = tpu.memref_slice %arg2[%add3A_21, %dma_start3A_45] : memref<16x10240xf32, #tpu.memory_space<hbm>> -> memref<1x10240xf32, #tpu.memory_space<hbm>>
      %dma_start3A_47 = tpu.memref_squeeze %dma_start3A_46 : memref<1x10240xf32, #tpu.memory_space<hbm>> -> memref<10240xf32, #tpu.memory_space<hbm>>
      tpu.enqueue_dma source(%dma_start3A_47 : memref<10240xf32, #tpu.memory_space<hbm>>) target(%arg11 : memref<10240xf32, #tpu.memory_space<vmem>>) target_semaphore(%run_scoped3A : memref<!tpu.dma_semaphore, #tpu.memory_space<semaphore_mem>>)
      %dma_wait3A = arith.constant 0 : i32
      %dma_wait3A_48 = tpu.memref_slice %arg2[%add3A_21, %dma_wait3A] : memref<16x10240xf32, #tpu.memory_space<hbm>> -> memref<1x10240xf32, #tpu.memory_space<hbm>>
      %dma_wait3A_49 = tpu.memref_squeeze %dma_wait3A_48 : memref<1x10240xf32, #tpu.memory_space<hbm>> -> memref<10240xf32, #tpu.memory_space<hbm>>
      %dma_wait3A_50 = arith.constant 0 : i32
      %dma_wait3A_51 = tpu.memref_slice %arg2[%add3A_21, %dma_wait3A_50] : memref<16x10240xf32, #tpu.memory_space<hbm>> -> memref<1x10240xf32, #tpu.memory_space<hbm>>
      %dma_wait3A_52 = tpu.memref_squeeze %dma_wait3A_51 : memref<1x10240xf32, #tpu.memory_space<hbm>> -> memref<10240xf32, #tpu.memory_space<hbm>>
      tpu.wait_dma2 semaphore(%run_scoped3A : memref<!tpu.dma_semaphore, #tpu.memory_space<semaphore_mem>>) src(%dma_wait3A_52 : memref<10240xf32, #tpu.memory_space<hbm>>) dst(%arg11 : memref<10240xf32, #tpu.memory_space<vmem>>)
      tpu.yield
    }) : () -> ()
    %scan3A = arith.constant 0 : i32
    %scan3A_22 = arith.constant 0 : i32
    %scan3A_23 = arith.constant 4 : i32
    %scan3A_24 = arith.addi %scan3A_22, %scan3A_23 : i32
    %scan3A_25 = arith.constant 1 : i32
    scf.for %scan3A_43 = %scan3A_22 to %scan3A_24 step %scan3A_25  : i32 {
      %mul3A_44 = arith.constant 80 : i32
      %mul3A_45 = arith.muli %scan3A_43, %mul3A_44 : i32
      "tpu.region"() ({
        %run_scoped3A = tpu.sem_alloc : memref<!tpu.dma_semaphore, #tpu.memory_space<semaphore_mem>>
        %dma_start3A = arith.constant 0 : i32
        %dma_start3A_51 = tpu.memref_slice %arg3[%rem3A_1, %mul3A_45, %dma_start3A] : memref<8x320x128xi32, #tpu.memory_space<hbm>> -> memref<1x80x128xi32, #tpu.memory_space<hbm>>
        %dma_start3A_52 = tpu.memref_squeeze %dma_start3A_51 : memref<1x80x128xi32, #tpu.memory_space<hbm>> -> memref<80x128xi32, #tpu.memory_space<hbm>>
        %dma_start3A_53 = arith.constant 0 : i32
        %dma_start3A_54 = tpu.memref_slice %arg3[%rem3A_1, %mul3A_45, %dma_start3A_53] : memref<8x320x128xi32, #tpu.memory_space<hbm>> -> memref<1x80x128xi32, #tpu.memory_space<hbm>>
        %dma_start3A_55 = tpu.memref_squeeze %dma_start3A_54 : memref<1x80x128xi32, #tpu.memory_space<hbm>> -> memref<80x128xi32, #tpu.memory_space<hbm>>
        tpu.enqueue_dma source(%dma_start3A_55 : memref<80x128xi32, #tpu.memory_space<hbm>>) target(%arg6 : memref<80x128xi32, #tpu.memory_space<vmem>>) target_semaphore(%run_scoped3A : memref<!tpu.dma_semaphore, #tpu.memory_space<semaphore_mem>>)
        %dma_wait3A = arith.constant 0 : i32
        %dma_wait3A_56 = tpu.memref_slice %arg3[%rem3A_1, %mul3A_45, %dma_wait3A] : memref<8x320x128xi32, #tpu.memory_space<hbm>> -> memref<1x80x128xi32, #tpu.memory_space<hbm>>
        %dma_wait3A_57 = tpu.memref_squeeze %dma_wait3A_56 : memref<1x80x128xi32, #tpu.memory_space<hbm>> -> memref<80x128xi32, #tpu.memory_space<hbm>>
        %dma_wait3A_58 = arith.constant 0 : i32
        %dma_wait3A_59 = tpu.memref_slice %arg3[%rem3A_1, %mul3A_45, %dma_wait3A_58] : memref<8x320x128xi32, #tpu.memory_space<hbm>> -> memref<1x80x128xi32, #tpu.memory_space<hbm>>
        %dma_wait3A_60 = tpu.memref_squeeze %dma_wait3A_59 : memref<1x80x128xi32, #tpu.memory_space<hbm>> -> memref<80x128xi32, #tpu.memory_space<hbm>>
        tpu.wait_dma2 semaphore(%run_scoped3A : memref<!tpu.dma_semaphore, #tpu.memory_space<semaphore_mem>>) src(%dma_wait3A_60 : memref<80x128xi32, #tpu.memory_space<hbm>>) dst(%arg6 : memref<80x128xi32, #tpu.memory_space<vmem>>)
        tpu.yield
      }) : () -> ()
      %mul3A_46 = arith.constant 80 : i32
      %mul3A_47 = arith.muli %scan3A_43, %mul3A_46 : i32
      "tpu.region"() ({
        %run_scoped3A = tpu.sem_alloc : memref<!tpu.dma_semaphore, #tpu.memory_space<semaphore_mem>>
        %dma_start3A = arith.constant 0 : i32
        %dma_start3A_51 = tpu.memref_slice %arg4[%rem3A_1, %mul3A_47, %dma_start3A] : memref<8x320x128xi32, #tpu.memory_space<hbm>> -> memref<1x80x128xi32, #tpu.memory_space<hbm>>
        %dma_start3A_52 = tpu.memref_squeeze %dma_start3A_51 : memref<1x80x128xi32, #tpu.memory_space<hbm>> -> memref<80x128xi32, #tpu.memory_space<hbm>>
        %dma_start3A_53 = arith.constant 0 : i32
        %dma_start3A_54 = tpu.memref_slice %arg4[%rem3A_1, %mul3A_47, %dma_start3A_53] : memref<8x320x128xi32, #tpu.memory_space<hbm>> -> memref<1x80x128xi32, #tpu.memory_space<hbm>>
        %dma_start3A_55 = tpu.memref_squeeze %dma_start3A_54 : memref<1x80x128xi32, #tpu.memory_space<hbm>> -> memref<80x128xi32, #tpu.memory_space<hbm>>
        tpu.enqueue_dma source(%dma_start3A_55 : memref<80x128xi32, #tpu.memory_space<hbm>>) target(%arg7 : memref<80x128xi32, #tpu.memory_space<vmem>>) target_semaphore(%run_scoped3A : memref<!tpu.dma_semaphore, #tpu.memory_space<semaphore_mem>>)
        %dma_wait3A = arith.constant 0 : i32
        %dma_wait3A_56 = tpu.memref_slice %arg4[%rem3A_1, %mul3A_47, %dma_wait3A] : memref<8x320x128xi32, #tpu.memory_space<hbm>> -> memref<1x80x128xi32, #tpu.memory_space<hbm>>
        %dma_wait3A_57 = tpu.memref_squeeze %dma_wait3A_56 : memref<1x80x128xi32, #tpu.memory_space<hbm>> -> memref<80x128xi32, #tpu.memory_space<hbm>>
        %dma_wait3A_58 = arith.constant 0 : i32
        %dma_wait3A_59 = tpu.memref_slice %arg4[%rem3A_1, %mul3A_47, %dma_wait3A_58] : memref<8x320x128xi32, #tpu.memory_space<hbm>> -> memref<1x80x128xi32, #tpu.memory_space<hbm>>
        %dma_wait3A_60 = tpu.memref_squeeze %dma_wait3A_59 : memref<1x80x128xi32, #tpu.memory_space<hbm>> -> memref<80x128xi32, #tpu.memory_space<hbm>>
        tpu.wait_dma2 semaphore(%run_scoped3A : memref<!tpu.dma_semaphore, #tpu.memory_space<semaphore_mem>>) src(%dma_wait3A_60 : memref<80x128xi32, #tpu.memory_space<hbm>>) dst(%arg7 : memref<80x128xi32, #tpu.memory_space<vmem>>)
        tpu.yield
      }) : () -> ()
      %parallel_loop3A_48 = arith.constant 0 : i32
      %parallel_loop3A_49 = arith.constant 80 : i32
      %parallel_loop3A_50 = arith.constant 1 : i32
      scf.for %parallel_loop3A_51 = %parallel_loop3A_48 to %parallel_loop3A_49 step %parallel_loop3A_50  : i32 {
        %parallel_loop3A_52 = arith.index_cast %parallel_loop3A_51 : i32 to index
        %parallel_loop3A_53 = arith.constant 0 : index
        %parallel_loop3A_54 = tpu.vector_load %arg6[%parallel_loop3A_52, %parallel_loop3A_53] {strides = array<i32>} : memref<80x128xi32, #tpu.memory_space<vmem>>, vector<16xi32>,
        %parallel_loop3A_55 = arith.index_cast %parallel_loop3A_51 : i32 to index
        %parallel_loop3A_56 = arith.constant 0 : index
        %parallel_loop3A_57 = tpu.vector_load %arg7[%parallel_loop3A_55, %parallel_loop3A_56] {strides = array<i32>} : memref<80x128xi32, #tpu.memory_space<vmem>>, vector<16xi32>,
        %parallel_loop3A_58 = tpu.vector_load_idx %arg8[%parallel_loop3A_54] : memref<10240xf32, #tpu.memory_space<vmem>>[vector<16xi32>], vector<16xf32>,
        tpu.vector_store_idx %arg12[%parallel_loop3A_57], %parallel_loop3A_58 {add = true} : memref<10240xf32, #tpu.memory_space<vmem>>[vector<16xi32>], vector<16xf32>,
        %parallel_loop3A_59 = tpu.vector_load_idx %arg9[%parallel_loop3A_54] : memref<10240xf32, #tpu.memory_space<vmem>>[vector<16xi32>], vector<16xf32>,
        tpu.vector_store_idx %arg13[%parallel_loop3A_57], %parallel_loop3A_59 {add = true} : memref<10240xf32, #tpu.memory_space<vmem>>[vector<16xi32>], vector<16xf32>,
        %parallel_loop3A_60 = tpu.vector_load_idx %arg10[%parallel_loop3A_54] : memref<10240xf32, #tpu.memory_space<vmem>>[vector<16xi32>], vector<16xf32>,
        tpu.vector_store_idx %arg14[%parallel_loop3A_57], %parallel_loop3A_60 {add = true} : memref<10240xf32, #tpu.memory_space<vmem>>[vector<16xi32>], vector<16xf32>,
        %parallel_loop3A_61 = tpu.vector_load_idx %arg11[%parallel_loop3A_54] : memref<10240xf32, #tpu.memory_space<vmem>>[vector<16xi32>], vector<16xf32>,
        tpu.vector_store_idx %arg15[%parallel_loop3A_57], %parallel_loop3A_61 {add = true} : memref<10240xf32, #tpu.memory_space<vmem>>[vector<16xi32>], vector<16xf32>,
        %parallel_loop3A_62 = arith.index_cast %parallel_loop3A_51 : i32 to index
        %parallel_loop3A_63 = arith.constant 16 : index
        %parallel_loop3A_64 = tpu.vector_load %arg6[%parallel_loop3A_62, %parallel_loop3A_63] {strides = array<i32>} : memref<80x128xi32, #tpu.memory_space<vmem>>, vector<16xi32>,
        %parallel_loop3A_65 = arith.index_cast %parallel_loop3A_51 : i32 to index
        %parallel_loop3A_66 = arith.constant 16 : index
        %parallel_loop3A_67 = tpu.vector_load %arg7[%parallel_loop3A_65, %parallel_loop3A_66] {strides = array<i32>} : memref<80x128xi32, #tpu.memory_space<vmem>>, vector<16xi32>,
        %parallel_loop3A_68 = tpu.vector_load_idx %arg8[%parallel_loop3A_64] : memref<10240xf32, #tpu.memory_space<vmem>>[vector<16xi32>], vector<16xf32>,
        tpu.vector_store_idx %arg12[%parallel_loop3A_67], %parallel_loop3A_68 {add = true} : memref<10240xf32, #tpu.memory_space<vmem>>[vector<16xi32>], vector<16xf32>,
        %parallel_loop3A_69 = tpu.vector_load_idx %arg9[%parallel_loop3A_64] : memref<10240xf32, #tpu.memory_space<vmem>>[vector<16xi32>], vector<16xf32>,
        tpu.vector_store_idx %arg13[%parallel_loop3A_67], %parallel_loop3A_69 {add = true} : memref<10240xf32, #tpu.memory_space<vmem>>[vector<16xi32>], vector<16xf32>,
        %parallel_loop3A_70 = tpu.vector_load_idx %arg10[%parallel_loop3A_64] : memref<10240xf32, #tpu.memory_space<vmem>>[vector<16xi32>], vector<16xf32>,
        tpu.vector_store_idx %arg14[%parallel_loop3A_67], %parallel_loop3A_70 {add = true} : memref<10240xf32, #tpu.memory_space<vmem>>[vector<16xi32>], vector<16xf32>,
        %parallel_loop3A_71 = tpu.vector_load_idx %arg11[%parallel_loop3A_64] : memref<10240xf32, #tpu.memory_space<vmem>>[vector<16xi32>], vector<16xf32>,
        tpu.vector_store_idx %arg15[%parallel_loop3A_67], %parallel_loop3A_71 {add = true} : memref<10240xf32, #tpu.memory_space<vmem>>[vector<16xi32>], vector<16xf32>,
        %parallel_loop3A_72 = arith.index_cast %parallel_loop3A_51 : i32 to index
        %parallel_loop3A_73 = arith.constant 32 : index
        %parallel_loop3A_74 = tpu.vector_load %arg6[%parallel_loop3A_72, %parallel_loop3A_73] {strides = array<i32>} : memref<80x128xi32, #tpu.memory_space<vmem>>, vector<16xi32>,
        %parallel_loop3A_75 = arith.index_cast %parallel_loop3A_51 : i32 to index
        %parallel_loop3A_76 = arith.constant 32 : index
        %parallel_loop3A_77 = tpu.vector_load %arg7[%parallel_loop3A_75, %parallel_loop3A_76] {strides = array<i32>} : memref<80x128xi32, #tpu.memory_space<vmem>>, vector<16xi32>,
        %parallel_loop3A_78 = tpu.vector_load_idx %arg8[%parallel_loop3A_74] : memref<10240xf32, #tpu.memory_space<vmem>>[vector<16xi32>], vector<16xf32>,
        tpu.vector_store_idx %arg12[%parallel_loop3A_77], %parallel_loop3A_78 {add = true} : memref<10240xf32, #tpu.memory_space<vmem>>[vector<16xi32>], vector<16xf32>,
        %parallel_loop3A_79 = tpu.vector_load_idx %arg9[%parallel_loop3A_74] : memref<10240xf32, #tpu.memory_space<vmem>>[vector<16xi32>], vector<16xf32>,
        tpu.vector_store_idx %arg13[%parallel_loop3A_77], %parallel_loop3A_79 {add = true} : memref<10240xf32, #tpu.memory_space<vmem>>[vector<16xi32>], vector<16xf32>,
        %parallel_loop3A_80 = tpu.vector_load_idx %arg10[%parallel_loop3A_74] : memref<10240xf32, #tpu.memory_space<vmem>>[vector<16xi32>], vector<16xf32>,
        tpu.vector_store_idx %arg14[%parallel_loop3A_77], %parallel_loop3A_80 {add = true} : memref<10240xf32, #tpu.memory_space<vmem>>[vector<16xi32>], vector<16xf32>,
        %parallel_loop3A_81 = tpu.vector_load_idx %arg11[%parallel_loop3A_74] : memref<10240xf32, #tpu.memory_space<vmem>>[vector<16xi32>], vector<16xf32>,
        tpu.vector_store_idx %arg15[%parallel_loop3A_77], %parallel_loop3A_81 {add = true} : memref<10240xf32, #tpu.memory_space<vmem>>[vector<16xi32>], vector<16xf32>,
        %parallel_loop3A_82 = arith.index_cast %parallel_loop3A_51 : i32 to index
        %parallel_loop3A_83 = arith.constant 48 : index
        %parallel_loop3A_84 = tpu.vector_load %arg6[%parallel_loop3A_82, %parallel_loop3A_83] {strides = array<i32>} : memref<80x128xi32, #tpu.memory_space<vmem>>, vector<16xi32>,
        %parallel_loop3A_85 = arith.index_cast %parallel_loop3A_51 : i32 to index
        %parallel_loop3A_86 = arith.constant 48 : index
        %parallel_loop3A_87 = tpu.vector_load %arg7[%parallel_loop3A_85, %parallel_loop3A_86] {strides = array<i32>} : memref<80x128xi32, #tpu.memory_space<vmem>>, vector<16xi32>,
        %parallel_loop3A_88 = tpu.vector_load_idx %arg8[%parallel_loop3A_84] : memref<10240xf32, #tpu.memory_space<vmem>>[vector<16xi32>], vector<16xf32>,
        tpu.vector_store_idx %arg12[%parallel_loop3A_87], %parallel_loop3A_88 {add = true} : memref<10240xf32, #tpu.memory_space<vmem>>[vector<16xi32>], vector<16xf32>,
        %parallel_loop3A_89 = tpu.vector_load_idx %arg9[%parallel_loop3A_84] : memref<10240xf32, #tpu.memory_space<vmem>>[vector<16xi32>], vector<16xf32>,
        tpu.vector_store_idx %arg13[%parallel_loop3A_87], %parallel_loop3A_89 {add = true} : memref<10240xf32, #tpu.memory_space<vmem>>[vector<16xi32>], vector<16xf32>,
        %parallel_loop3A_90 = tpu.vector_load_idx %arg10[%parallel_loop3A_84] : memref<10240xf32, #tpu.memory_space<vmem>>[vector<16xi32>], vector<16xf32>,
        tpu.vector_store_idx %arg14[%parallel_loop3A_87], %parallel_loop3A_90 {add = true} : memref<10240xf32, #tpu.memory_space<vmem>>[vector<16xi32>], vector<16xf32>,
        %parallel_loop3A_91 = tpu.vector_load_idx %arg11[%parallel_loop3A_84] : memref<10240xf32, #tpu.memory_space<vmem>>[vector<16xi32>], vector<16xf32>,
        tpu.vector_store_idx %arg15[%parallel_loop3A_87], %parallel_loop3A_91 {add = true} : memref<10240xf32, #tpu.memory_space<vmem>>[vector<16xi32>], vector<16xf32>,
        %parallel_loop3A_92 = arith.index_cast %parallel_loop3A_51 : i32 to index
        %parallel_loop3A_93 = arith.constant 64 : index
        %parallel_loop3A_94 = tpu.vector_load %arg6[%parallel_loop3A_92, %parallel_loop3A_93] {strides = array<i32>} : memref<80x128xi32, #tpu.memory_space<vmem>>, vector<16xi32>,
        %parallel_loop3A_95 = arith.index_cast %parallel_loop3A_51 : i32 to index
        %parallel_loop3A_96 = arith.constant 64 : index
        %parallel_loop3A_97 = tpu.vector_load %arg7[%parallel_loop3A_95, %parallel_loop3A_96] {strides = array<i32>} : memref<80x128xi32, #tpu.memory_space<vmem>>, vector<16xi32>,
        %parallel_loop3A_98 = tpu.vector_load_idx %arg8[%parallel_loop3A_94] : memref<10240xf32, #tpu.memory_space<vmem>>[vector<16xi32>], vector<16xf32>,
        tpu.vector_store_idx %arg12[%parallel_loop3A_97], %parallel_loop3A_98 {add = true} : memref<10240xf32, #tpu.memory_space<vmem>>[vector<16xi32>], vector<16xf32>,
        %parallel_loop3A_99 = tpu.vector_load_idx %arg9[%parallel_loop3A_94] : memref<10240xf32, #tpu.memory_space<vmem>>[vector<16xi32>], vector<16xf32>,
        tpu.vector_store_idx %arg13[%parallel_loop3A_97], %parallel_loop3A_99 {add = true} : memref<10240xf32, #tpu.memory_space<vmem>>[vector<16xi32>], vector<16xf32>,
        %parallel_loop3A_100 = tpu.vector_load_idx %arg10[%parallel_loop3A_94] : memref<10240xf32, #tpu.memory_space<vmem>>[vector<16xi32>], vector<16xf32>,
        tpu.vector_store_idx %arg14[%parallel_loop3A_97], %parallel_loop3A_100 {add = true} : memref<10240xf32, #tpu.memory_space<vmem>>[vector<16xi32>], vector<16xf32>,
        %parallel_loop3A_101 = tpu.vector_load_idx %arg11[%parallel_loop3A_94] : memref<10240xf32, #tpu.memory_space<vmem>>[vector<16xi32>], vector<16xf32>,
        tpu.vector_store_idx %arg15[%parallel_loop3A_97], %parallel_loop3A_101 {add = true} : memref<10240xf32, #tpu.memory_space<vmem>>[vector<16xi32>], vector<16xf32>,
        %parallel_loop3A_102 = arith.index_cast %parallel_loop3A_51 : i32 to index
        %parallel_loop3A_103 = arith.constant 80 : index
        %parallel_loop3A_104 = tpu.vector_load %arg6[%parallel_loop3A_102, %parallel_loop3A_103] {strides = array<i32>} : memref<80x128xi32, #tpu.memory_space<vmem>>, vector<16xi32>,
        %parallel_loop3A_105 = arith.index_cast %parallel_loop3A_51 : i32 to index
        %parallel_loop3A_106 = arith.constant 80 : index
        %parallel_loop3A_107 = tpu.vector_load %arg7[%parallel_loop3A_105, %parallel_loop3A_106] {strides = array<i32>} : memref<80x128xi32, #tpu.memory_space<vmem>>, vector<16xi32>,
        %parallel_loop3A_108 = tpu.vector_load_idx %arg8[%parallel_loop3A_104] : memref<10240xf32, #tpu.memory_space<vmem>>[vector<16xi32>], vector<16xf32>,
        tpu.vector_store_idx %arg12[%parallel_loop3A_107], %parallel_loop3A_108 {add = true} : memref<10240xf32, #tpu.memory_space<vmem>>[vector<16xi32>], vector<16xf32>,
        %parallel_loop3A_109 = tpu.vector_load_idx %arg9[%parallel_loop3A_104] : memref<10240xf32, #tpu.memory_space<vmem>>[vector<16xi32>], vector<16xf32>,
        tpu.vector_store_idx %arg13[%parallel_loop3A_107], %parallel_loop3A_109 {add = true} : memref<10240xf32, #tpu.memory_space<vmem>>[vector<16xi32>], vector<16xf32>,
        %parallel_loop3A_110 = tpu.vector_load_idx %arg10[%parallel_loop3A_104] : memref<10240xf32, #tpu.memory_space<vmem>>[vector<16xi32>], vector<16xf32>,
        tpu.vector_store_idx %arg14[%parallel_loop3A_107], %parallel_loop3A_110 {add = true} : memref<10240xf32, #tpu.memory_space<vmem>>[vector<16xi32>], vector<16xf32>,
        %parallel_loop3A_111 = tpu.vector_load_idx %arg11[%parallel_loop3A_104] : memref<10240xf32, #tpu.memory_space<vmem>>[vector<16xi32>], vector<16xf32>,
        tpu.vector_store_idx %arg15[%parallel_loop3A_107], %parallel_loop3A_111 {add = true} : memref<10240xf32, #tpu.memory_space<vmem>>[vector<16xi32>], vector<16xf32>,
        %parallel_loop3A_112 = arith.index_cast %parallel_loop3A_51 : i32 to index
        %parallel_loop3A_113 = arith.constant 96 : index
        %parallel_loop3A_114 = tpu.vector_load %arg6[%parallel_loop3A_112, %parallel_loop3A_113] {strides = array<i32>} : memref<80x128xi32, #tpu.memory_space<vmem>>, vector<16xi32>,
        %parallel_loop3A_115 = arith.index_cast %parallel_loop3A_51 : i32 to index
        %parallel_loop3A_116 = arith.constant 96 : index
        %parallel_loop3A_117 = tpu.vector_load %arg7[%parallel_loop3A_115, %parallel_loop3A_116] {strides = array<i32>} : memref<80x128xi32, #tpu.memory_space<vmem>>, vector<16xi32>,
        %parallel_loop3A_118 = tpu.vector_load_idx %arg8[%parallel_loop3A_114] : memref<10240xf32, #tpu.memory_space<vmem>>[vector<16xi32>], vector<16xf32>,
        tpu.vector_store_idx %arg12[%parallel_loop3A_117], %parallel_loop3A_118 {add = true} : memref<10240xf32, #tpu.memory_space<vmem>>[vector<16xi32>], vector<16xf32>,
        %parallel_loop3A_119 = tpu.vector_load_idx %arg9[%parallel_loop3A_114] : memref<10240xf32, #tpu.memory_space<vmem>>[vector<16xi32>], vector<16xf32>,
        tpu.vector_store_idx %arg13[%parallel_loop3A_117], %parallel_loop3A_119 {add = true} : memref<10240xf32, #tpu.memory_space<vmem>>[vector<16xi32>], vector<16xf32>,
        %parallel_loop3A_120 = tpu.vector_load_idx %arg10[%parallel_loop3A_114] : memref<10240xf32, #tpu.memory_space<vmem>>[vector<16xi32>], vector<16xf32>,
        tpu.vector_store_idx %arg14[%parallel_loop3A_117], %parallel_loop3A_120 {add = true} : memref<10240xf32, #tpu.memory_space<vmem>>[vector<16xi32>], vector<16xf32>,
        %parallel_loop3A_121 = tpu.vector_load_idx %arg11[%parallel_loop3A_114] : memref<10240xf32, #tpu.memory_space<vmem>>[vector<16xi32>], vector<16xf32>,
        tpu.vector_store_idx %arg15[%parallel_loop3A_117], %parallel_loop3A_121 {add = true} : memref<10240xf32, #tpu.memory_space<vmem>>[vector<16xi32>], vector<16xf32>,
        %parallel_loop3A_122 = arith.index_cast %parallel_loop3A_51 : i32 to index
        %parallel_loop3A_123 = arith.constant 112 : index
        %parallel_loop3A_124 = tpu.vector_load %arg6[%parallel_loop3A_122, %parallel_loop3A_123] {strides = array<i32>} : memref<80x128xi32, #tpu.memory_space<vmem>>, vector<16xi32>,
        %parallel_loop3A_125 = arith.index_cast %parallel_loop3A_51 : i32 to index
        %parallel_loop3A_126 = arith.constant 112 : index
        %parallel_loop3A_127 = tpu.vector_load %arg7[%parallel_loop3A_125, %parallel_loop3A_126] {strides = array<i32>} : memref<80x128xi32, #tpu.memory_space<vmem>>, vector<16xi32>,
        %parallel_loop3A_128 = tpu.vector_load_idx %arg8[%parallel_loop3A_124] : memref<10240xf32, #tpu.memory_space<vmem>>[vector<16xi32>], vector<16xf32>,
        tpu.vector_store_idx %arg12[%parallel_loop3A_127], %parallel_loop3A_128 {add = true} : memref<10240xf32, #tpu.memory_space<vmem>>[vector<16xi32>], vector<16xf32>,
        %parallel_loop3A_129 = tpu.vector_load_idx %arg9[%parallel_loop3A_124] : memref<10240xf32, #tpu.memory_space<vmem>>[vector<16xi32>], vector<16xf32>,
        tpu.vector_store_idx %arg13[%parallel_loop3A_127], %parallel_loop3A_129 {add = true} : memref<10240xf32, #tpu.memory_space<vmem>>[vector<16xi32>], vector<16xf32>,
        %parallel_loop3A_130 = tpu.vector_load_idx %arg10[%parallel_loop3A_124] : memref<10240xf32, #tpu.memory_space<vmem>>[vector<16xi32>], vector<16xf32>,
        tpu.vector_store_idx %arg14[%parallel_loop3A_127], %parallel_loop3A_130 {add = true} : memref<10240xf32, #tpu.memory_space<vmem>>[vector<16xi32>], vector<16xf32>,
        %parallel_loop3A_131 = tpu.vector_load_idx %arg11[%parallel_loop3A_124] : memref<10240xf32, #tpu.memory_space<vmem>>[vector<16xi32>], vector<16xf32>,
        tpu.vector_store_idx %arg15[%parallel_loop3A_127], %parallel_loop3A_131 {add = true} : memref<10240xf32, #tpu.memory_space<vmem>>[vector<16xi32>], vector<16xf32>,
      } {sc.loop_unroll_factor = 2 : i64, sc.parallel_access}
    }
    %scan3A_26 = arith.constant 4 : i32
    %mul3A_27 = arith.constant 4 : i32
    %mul3A_28 = arith.muli %div3A_2, %mul3A_27 : i32
    %add3A_29 = arith.constant 0 : i32
    %add3A_30 = arith.addi %mul3A_28, %add3A_29 : i32
    "tpu.region"() ({
      %run_scoped3A = tpu.sem_alloc : memref<!tpu.dma_semaphore, #tpu.memory_space<semaphore_mem>>
      %dma_start3A = arith.constant 0 : i32
      %dma_start3A_43 = tpu.memref_slice %arg5[%rem3A_1, %add3A_30, %dma_start3A] : memref<8x16x10240xf32, #tpu.memory_space<hbm>> -> memref<1x1x10240xf32, #tpu.memory_space<hbm>>
      %dma_start3A_44 = tpu.memref_squeeze %dma_start3A_43 : memref<1x1x10240xf32, #tpu.memory_space<hbm>> -> memref<10240xf32, #tpu.memory_space<hbm>>
      %dma_start3A_45 = arith.constant 0 : i32
      %dma_start3A_46 = tpu.memref_slice %arg5[%rem3A_1, %add3A_30, %dma_start3A_45] : memref<8x16x10240xf32, #tpu.memory_space<hbm>> -> memref<1x1x10240xf32, #tpu.memory_space<hbm>>
      %dma_start3A_47 = tpu.memref_squeeze %dma_start3A_46 : memref<1x1x10240xf32, #tpu.memory_space<hbm>> -> memref<10240xf32, #tpu.memory_space<hbm>>
      tpu.enqueue_dma source(%arg12 : memref<10240xf32, #tpu.memory_space<vmem>>) target(%dma_start3A_47 : memref<10240xf32, #tpu.memory_space<hbm>>) target_semaphore(%run_scoped3A : memref<!tpu.dma_semaphore, #tpu.memory_space<semaphore_mem>>)
      %dma_wait3A = arith.constant 0 : i32
      %dma_wait3A_48 = tpu.memref_slice %arg5[%rem3A_1, %add3A_30, %dma_wait3A] : memref<8x16x10240xf32, #tpu.memory_space<hbm>> -> memref<1x1x10240xf32, #tpu.memory_space<hbm>>
      %dma_wait3A_49 = tpu.memref_squeeze %dma_wait3A_48 : memref<1x1x10240xf32, #tpu.memory_space<hbm>> -> memref<10240xf32, #tpu.memory_space<hbm>>
      %dma_wait3A_50 = arith.constant 0 : i32
      %dma_wait3A_51 = tpu.memref_slice %arg5[%rem3A_1, %add3A_30, %dma_wait3A_50] : memref<8x16x10240xf32, #tpu.memory_space<hbm>> -> memref<1x1x10240xf32, #tpu.memory_space<hbm>>
      %dma_wait3A_52 = tpu.memref_squeeze %dma_wait3A_51 : memref<1x1x10240xf32, #tpu.memory_space<hbm>> -> memref<10240xf32, #tpu.memory_space<hbm>>
      tpu.wait_dma2 semaphore(%run_scoped3A : memref<!tpu.dma_semaphore, #tpu.memory_space<semaphore_mem>>) src(%arg12 : memref<10240xf32, #tpu.memory_space<vmem>>) dst(%dma_wait3A_52 : memref<10240xf32, #tpu.memory_space<hbm>>)
      tpu.yield
    }) : () -> ()
    %mul3A_31 = arith.constant 4 : i32
    %mul3A_32 = arith.muli %div3A_2, %mul3A_31 : i32
    %add3A_33 = arith.constant 1 : i32
    %add3A_34 = arith.addi %mul3A_32, %add3A_33 : i32
    "tpu.region"() ({
      %run_scoped3A = tpu.sem_alloc : memref<!tpu.dma_semaphore, #tpu.memory_space<semaphore_mem>>
      %dma_start3A = arith.constant 0 : i32
      %dma_start3A_43 = tpu.memref_slice %arg5[%rem3A_1, %add3A_34, %dma_start3A] : memref<8x16x10240xf32, #tpu.memory_space<hbm>> -> memref<1x1x10240xf32, #tpu.memory_space<hbm>>
      %dma_start3A_44 = tpu.memref_squeeze %dma_start3A_43 : memref<1x1x10240xf32, #tpu.memory_space<hbm>> -> memref<10240xf32, #tpu.memory_space<hbm>>
      %dma_start3A_45 = arith.constant 0 : i32
      %dma_start3A_46 = tpu.memref_slice %arg5[%rem3A_1, %add3A_34, %dma_start3A_45] : memref<8x16x10240xf32, #tpu.memory_space<hbm>> -> memref<1x1x10240xf32, #tpu.memory_space<hbm>>
      %dma_start3A_47 = tpu.memref_squeeze %dma_start3A_46 : memref<1x1x10240xf32, #tpu.memory_space<hbm>> -> memref<10240xf32, #tpu.memory_space<hbm>>
      tpu.enqueue_dma source(%arg13 : memref<10240xf32, #tpu.memory_space<vmem>>) target(%dma_start3A_47 : memref<10240xf32, #tpu.memory_space<hbm>>) target_semaphore(%run_scoped3A : memref<!tpu.dma_semaphore, #tpu.memory_space<semaphore_mem>>)
      %dma_wait3A = arith.constant 0 : i32
      %dma_wait3A_48 = tpu.memref_slice %arg5[%rem3A_1, %add3A_34, %dma_wait3A] : memref<8x16x10240xf32, #tpu.memory_space<hbm>> -> memref<1x1x10240xf32, #tpu.memory_space<hbm>>
      %dma_wait3A_49 = tpu.memref_squeeze %dma_wait3A_48 : memref<1x1x10240xf32, #tpu.memory_space<hbm>> -> memref<10240xf32, #tpu.memory_space<hbm>>
      %dma_wait3A_50 = arith.constant 0 : i32
      %dma_wait3A_51 = tpu.memref_slice %arg5[%rem3A_1, %add3A_34, %dma_wait3A_50] : memref<8x16x10240xf32, #tpu.memory_space<hbm>> -> memref<1x1x10240xf32, #tpu.memory_space<hbm>>
      %dma_wait3A_52 = tpu.memref_squeeze %dma_wait3A_51 : memref<1x1x10240xf32, #tpu.memory_space<hbm>> -> memref<10240xf32, #tpu.memory_space<hbm>>
      tpu.wait_dma2 semaphore(%run_scoped3A : memref<!tpu.dma_semaphore, #tpu.memory_space<semaphore_mem>>) src(%arg13 : memref<10240xf32, #tpu.memory_space<vmem>>) dst(%dma_wait3A_52 : memref<10240xf32, #tpu.memory_space<hbm>>)
      tpu.yield
    }) : () -> ()
    %mul3A_35 = arith.constant 4 : i32
    %mul3A_36 = arith.muli %div3A_2, %mul3A_35 : i32
    %add3A_37 = arith.constant 2 : i32
    %add3A_38 = arith.addi %mul3A_36, %add3A_37 : i32
    "tpu.region"() ({
      %run_scoped3A = tpu.sem_alloc : memref<!tpu.dma_semaphore, #tpu.memory_space<semaphore_mem>>
      %dma_start3A = arith.constant 0 : i32
      %dma_start3A_43 = tpu.memref_slice %arg5[%rem3A_1, %add3A_38, %dma_start3A] : memref<8x16x10240xf32, #tpu.memory_space<hbm>> -> memref<1x1x10240xf32, #tpu.memory_space<hbm>>
      %dma_start3A_44 = tpu.memref_squeeze %dma_start3A_43 : memref<1x1x10240xf32, #tpu.memory_space<hbm>> -> memref<10240xf32, #tpu.memory_space<hbm>>
      %dma_start3A_45 = arith.constant 0 : i32
      %dma_start3A_46 = tpu.memref_slice %arg5[%rem3A_1, %add3A_38, %dma_start3A_45] : memref<8x16x10240xf32, #tpu.memory_space<hbm>> -> memref<1x1x10240xf32, #tpu.memory_space<hbm>>
      %dma_start3A_47 = tpu.memref_squeeze %dma_start3A_46 : memref<1x1x10240xf32, #tpu.memory_space<hbm>> -> memref<10240xf32, #tpu.memory_space<hbm>>
      tpu.enqueue_dma source(%arg14 : memref<10240xf32, #tpu.memory_space<vmem>>) target(%dma_start3A_47 : memref<10240xf32, #tpu.memory_space<hbm>>) target_semaphore(%run_scoped3A : memref<!tpu.dma_semaphore, #tpu.memory_space<semaphore_mem>>)
      %dma_wait3A = arith.constant 0 : i32
      %dma_wait3A_48 = tpu.memref_slice %arg5[%rem3A_1, %add3A_38, %dma_wait3A] : memref<8x16x10240xf32, #tpu.memory_space<hbm>> -> memref<1x1x10240xf32, #tpu.memory_space<hbm>>
      %dma_wait3A_49 = tpu.memref_squeeze %dma_wait3A_48 : memref<1x1x10240xf32, #tpu.memory_space<hbm>> -> memref<10240xf32, #tpu.memory_space<hbm>>
      %dma_wait3A_50 = arith.constant 0 : i32
      %dma_wait3A_51 = tpu.memref_slice %arg5[%rem3A_1, %add3A_38, %dma_wait3A_50] : memref<8x16x10240xf32, #tpu.memory_space<hbm>> -> memref<1x1x10240xf32, #tpu.memory_space<hbm>>
      %dma_wait3A_52 = tpu.memref_squeeze %dma_wait3A_51 : memref<1x1x10240xf32, #tpu.memory_space<hbm>> -> memref<10240xf32, #tpu.memory_space<hbm>>
      tpu.wait_dma2 semaphore(%run_scoped3A : memref<!tpu.dma_semaphore, #tpu.memory_space<semaphore_mem>>) src(%arg14 : memref<10240xf32, #tpu.memory_space<vmem>>) dst(%dma_wait3A_52 : memref<10240xf32, #tpu.memory_space<hbm>>)
      tpu.yield
    }) : () -> ()
    %mul3A_39 = arith.constant 4 : i32
    %mul3A_40 = arith.muli %div3A_2, %mul3A_39 : i32
    %add3A_41 = arith.constant 3 : i32
    %add3A_42 = arith.addi %mul3A_40, %add3A_41 : i32
    "tpu.region"() ({
      %run_scoped3A = tpu.sem_alloc : memref<!tpu.dma_semaphore, #tpu.memory_space<semaphore_mem>>
      %dma_start3A = arith.constant 0 : i32
      %dma_start3A_43 = tpu.memref_slice %arg5[%rem3A_1, %add3A_42, %dma_start3A] : memref<8x16x10240xf32, #tpu.memory_space<hbm>> -> memref<1x1x10240xf32, #tpu.memory_space<hbm>>
      %dma_start3A_44 = tpu.memref_squeeze %dma_start3A_43 : memref<1x1x10240xf32, #tpu.memory_space<hbm>> -> memref<10240xf32, #tpu.memory_space<hbm>>
      %dma_start3A_45 = arith.constant 0 : i32
      %dma_start3A_46 = tpu.memref_slice %arg5[%rem3A_1, %add3A_42, %dma_start3A_45] : memref<8x16x10240xf32, #tpu.memory_space<hbm>> -> memref<1x1x10240xf32, #tpu.memory_space<hbm>>
      %dma_start3A_47 = tpu.memref_squeeze %dma_start3A_46 : memref<1x1x10240xf32, #tpu.memory_space<hbm>> -> memref<10240xf32, #tpu.memory_space<hbm>>
      tpu.enqueue_dma source(%arg15 : memref<10240xf32, #tpu.memory_space<vmem>>) target(%dma_start3A_47 : memref<10240xf32, #tpu.memory_space<hbm>>) target_semaphore(%run_scoped3A : memref<!tpu.dma_semaphore, #tpu.memory_space<semaphore_mem>>)
      %dma_wait3A = arith.constant 0 : i32
      %dma_wait3A_48 = tpu.memref_slice %arg5[%rem3A_1, %add3A_42, %dma_wait3A] : memref<8x16x10240xf32, #tpu.memory_space<hbm>> -> memref<1x1x10240xf32, #tpu.memory_space<hbm>>
      %dma_wait3A_49 = tpu.memref_squeeze %dma_wait3A_48 : memref<1x1x10240xf32, #tpu.memory_space<hbm>> -> memref<10240xf32, #tpu.memory_space<hbm>>
      %dma_wait3A_50 = arith.constant 0 : i32
      %dma_wait3A_51 = tpu.memref_slice %arg5[%rem3A_1, %add3A_42, %dma_wait3A_50] : memref<8x16x10240xf32, #tpu.memory_space<hbm>> -> memref<1x1x10240xf32, #tpu.memory_space<hbm>>
      %dma_wait3A_52 = tpu.memref_squeeze %dma_wait3A_51 : memref<1x1x10240xf32, #tpu.memory_space<hbm>> -> memref<10240xf32, #tpu.memory_space<hbm>>
      tpu.wait_dma2 semaphore(%run_scoped3A : memref<!tpu.dma_semaphore, #tpu.memory_space<semaphore_mem>>) src(%arg15 : memref<10240xf32, #tpu.memory_space<vmem>>) dst(%dma_wait3A_52 : memref<10240xf32, #tpu.memory_space<hbm>>)
      tpu.yield
    }) : () -> ()
    return
  }
}

module attributes {stable_mosaic.version = 14 : i64} {
  func.func @_hraw_kernel(%arg0: i32, %arg1: memref<16x128xf32, #tpu.memory_space<vmem>>, %arg2: memref<128x2048xf32, #tpu.memory_space<vmem>>, %arg3: memref<16x2048xf32, #tpu.memory_space<vmem>>) attributes {dimension_semantics = [#tpu.dimension_semantics<arbitrary>], iteration_bounds = array<i64: 5>, scalar_prefetch = 0 : i64, scratch_operands = 0 : i64, tpu.core_type = #tpu.core_type<tc>, window_params = [{pipeline_mode = #tpu.pipeline_mode<synchronous>, transform_indices = @transform_0, window_bounds = array<i64: 16, 128>}, {transform_indices = @transform_1, window_bounds = array<i64: 128, 2048>}, {transform_indices = @transform_2, window_bounds = array<i64: 16, 2048>}]} {
    %get3A = arith.constant 0 : index
    %get3A_0 = arith.constant 0 : index
    %get3A_1 = vector.load %arg1[%get3A, %get3A_0] : memref<16x128xf32, #tpu.memory_space<vmem>>, vector<16x128xf32>
    %get3A_2 = arith.constant 0 : index
    %get3A_3 = arith.constant 0 : index
    %get3A_4 = vector.load %arg2[%get3A_2, %get3A_3] : memref<128x2048xf32, #tpu.memory_space<vmem>>, vector<128x2048xf32>
    %dot_general3A = arith.constant dense<0.000000e+00> : vector<16x2048xf32>
    %dot_general3A_5 = tpu.matmul %get3A_1, %get3A_4, %dot_general3A {dimension_numbers = #tpu.dot_dimension_numbers<[1], [0], [0], [1], [0, 0, 1, 1], [], []>, transpose_lhs_hint = false} : vector<16x128xf32>, vector<128x2048xf32>, vector<16x2048xf32> -> vector<16x2048xf32>
    %swap3A = arith.constant 0 : index
    %swap3A_6 = arith.constant 0 : index
    %swap3A_7 = vector.load %arg3[%swap3A, %swap3A_6] : memref<16x2048xf32, #tpu.memory_space<vmem>>, vector<16x2048xf32>
    tpu.vector_store %arg3[%swap3A, %swap3A_6], %dot_general3A_5 {strides = array<i32>} : memref<16x2048xf32, #tpu.memory_space<vmem>>, vector<16x2048xf32>,
    return
  }
  func.func @transform_0(%arg0: i32) -> (i32, i32) {
    %c0_i32 = arith.constant 0 : i32
    %c0_i32_0 = arith.constant 0 : i32
    %c0_i32_1 = arith.constant 0 : i32
    return %c0_i32, %c0_i32_0 : i32, i32
  }
  func.func @transform_1(%arg0: i32) -> (i32, i32) {
    %c0_i32 = arith.constant 0 : i32
    %c0_i32_0 = arith.constant 0 : i32
    return %c0_i32, %arg0 : i32, i32
  }
  func.func @transform_2(%arg0: i32) -> (i32, i32) {
    %c0_i32 = arith.constant 0 : i32
    %c0_i32_0 = arith.constant 0 : i32
    return %c0_i32, %arg0 : i32, i32
  }
}

module attributes {stable_mosaic.version = 14 : i64} {
  func.func @_scale_kernel(%arg0: i32, %arg1: memref<16x2048xf32, #tpu.memory_space<vmem>>, %arg2: memref<2x32x2048xf32, #tpu.memory_space<vmem>>, %arg3: memref<16x2048xf32, #tpu.memory_space<vmem>>) attributes {dimension_semantics = [#tpu.dimension_semantics<arbitrary>], iteration_bounds = array<i64: 5>, scalar_prefetch = 0 : i64, scratch_operands = 0 : i64, tpu.core_type = #tpu.core_type<tc>, window_params = [{transform_indices = @transform_0, window_bounds = array<i64: 16, 2048>}, {transform_indices = @transform_1, window_bounds = array<i64: 2, 32, 2048>}, {transform_indices = @transform_2, window_bounds = array<i64: 16, 2048>}]} {
    %get3A = arith.constant 0 : index
    %get3A_0 = arith.constant 0 : index
    %get3A_1 = arith.constant 0 : index
    %get3A_2 = vector.load %arg2[%get3A, %get3A_0, %get3A_1] : memref<2x32x2048xf32, #tpu.memory_space<vmem>>, vector<1x32x2048xf32>
    %get3A_3 = vector.shape_cast %get3A_2 : vector<1x32x2048xf32> to vector<32x2048xf32>
    %reduce_sum3A = arith.constant dense<0.000000e+00> : vector<2048xf32>
    %reduce_sum3A_4 = vector.multi_reduction <add>, %get3A_3, %reduce_sum3A [0] : vector<32x2048xf32> to vector<2048xf32>
    %jit3A = arith.constant 1.000000e+00 : f32
    %max3A = vector.broadcast %jit3A : f32 to vector<2048xf32>
    %max3A_5 = arith.maximumf %max3A, %reduce_sum3A_4 : vector<2048xf32>
    %rsqrt3A = math.rsqrt %max3A_5 : vector<2048xf32>
    %get3A_6 = arith.constant 0 : index
    %get3A_7 = arith.constant 0 : index
    %get3A_8 = vector.load %arg1[%get3A_6, %get3A_7] : memref<16x2048xf32, #tpu.memory_space<vmem>>, vector<16x2048xf32>
    %broadcast_in_dim3A = vector.shape_cast %rsqrt3A : vector<2048xf32> to vector<1x2048xf32>
    %mul3A = vector.broadcast %broadcast_in_dim3A : vector<1x2048xf32> to vector<16x2048xf32>
    %mul3A_9 = arith.mulf %get3A_8, %mul3A : vector<16x2048xf32>
    %swap3A = arith.constant 0 : index
    %swap3A_10 = arith.constant 0 : index
    %swap3A_11 = vector.load %arg3[%swap3A, %swap3A_10] : memref<16x2048xf32, #tpu.memory_space<vmem>>, vector<16x2048xf32>
    tpu.vector_store %arg3[%swap3A, %swap3A_10], %mul3A_9 {strides = array<i32>} : memref<16x2048xf32, #tpu.memory_space<vmem>>, vector<16x2048xf32>,
    return
  }
  func.func @transform_0(%arg0: i32) -> (i32, i32) {
    %c0_i32 = arith.constant 0 : i32
    %c0_i32_0 = arith.constant 0 : i32
    return %c0_i32, %arg0 : i32, i32
  }
  func.func @transform_1(%arg0: i32) -> (i32, i32, i32) {
    %c0_i32 = arith.constant 0 : i32
    %c0_i32_0 = arith.constant 0 : i32
    %c0_i32_1 = arith.constant 0 : i32
    return %c0_i32, %c0_i32_0, %arg0 : i32, i32, i32
  }
  func.func @transform_2(%arg0: i32) -> (i32, i32) {
    %c0_i32 = arith.constant 0 : i32
    %c0_i32_0 = arith.constant 0 : i32
    return %c0_i32, %arg0 : i32, i32
  }
}

module attributes {stable_mosaic.version = 14 : i64} {
  func.func @_xt_kernel(%arg0: memref<8x16x10240xf32, #tpu.memory_space<vmem>>, %arg1: memref<2x32x10240xf32, #tpu.memory_space<vmem>>, %arg2: memref<16xf32, #tpu.memory_space<vmem>>, %arg3: memref<16x10000xf32, #tpu.memory_space<vmem>>) attributes {dimension_semantics = [], scalar_prefetch = 0 : i64, scratch_operands = 0 : i64, tpu.core_type = #tpu.core_type<tc>} {
    %get3A = arith.constant 0 : index
    %get3A_0 = arith.constant 0 : index
    %get3A_1 = arith.constant 0 : index
    %get3A_2 = vector.load %arg0[%get3A, %get3A_0, %get3A_1] : memref<8x16x10240xf32, #tpu.memory_space<vmem>>, vector<8x16x10240xf32>
    %reduce_sum3A = arith.constant dense<0.000000e+00> : vector<16x10240xf32>
    %reduce_sum3A_3 = vector.multi_reduction <add>, %get3A_2, %reduce_sum3A [0] : vector<8x16x10240xf32> to vector<16x10240xf32>
    %get3A_4 = arith.constant 1 : index
    %get3A_5 = arith.constant 0 : index
    %get3A_6 = arith.constant 0 : index
    %get3A_7 = vector.load %arg1[%get3A_4, %get3A_5, %get3A_6] : memref<2x32x10240xf32, #tpu.memory_space<vmem>>, vector<1x32x10240xf32>
    %get3A_8 = vector.shape_cast %get3A_7 : vector<1x32x10240xf32> to vector<32x10240xf32>
    %reduce_sum3A_9 = arith.constant dense<0.000000e+00> : vector<10240xf32>
    %reduce_sum3A_10 = vector.multi_reduction <add>, %get3A_8, %reduce_sum3A_9 [0] : vector<32x10240xf32> to vector<10240xf32>
    %jit3A = arith.constant 1.000000e+00 : f32
    %max3A = vector.broadcast %jit3A : f32 to vector<10240xf32>
    %max3A_11 = arith.maximumf %max3A, %reduce_sum3A_10 : vector<10240xf32>
    %rsqrt3A = math.rsqrt %max3A_11 : vector<10240xf32>
    %broadcast_in_dim3A = vector.shape_cast %rsqrt3A : vector<10240xf32> to vector<1x10240xf32>
    %mul3A = vector.broadcast %broadcast_in_dim3A : vector<1x10240xf32> to vector<16x10240xf32>
    %mul3A_12 = arith.mulf %reduce_sum3A_3, %mul3A : vector<16x10240xf32>
    %get3A_13 = arith.constant 0 : index
    %get3A_14 = vector.load %arg2[%get3A_13] : memref<16xf32, #tpu.memory_space<vmem>>, vector<16xf32>
    %broadcast_in_dim3A_15 = vector.shape_cast %get3A_14 : vector<16xf32> to vector<16x1xf32>
    %add3A = vector.broadcast %broadcast_in_dim3A_15 : vector<16x1xf32> to vector<16x10240xf32>
    %add3A_16 = arith.addf %mul3A_12, %add3A : vector<16x10240xf32>
    %slice3A = vector.extract_strided_slice %add3A_16 {offsets = [0, 0], sizes = [16, 10000], strides = [1, 1]} : vector<16x10240xf32> to vector<16x10000xf32>
    %swap3A = arith.constant 0 : index
    %swap3A_17 = arith.constant 0 : index
    %swap3A_18 = vector.load %arg3[%swap3A, %swap3A_17] : memref<16x10000xf32, #tpu.memory_space<vmem>>, vector<16x10000xf32>
    tpu.vector_store %arg3[%swap3A, %swap3A_17], %slice3A {strides = array<i32>} : memref<16x10000xf32, #tpu.memory_space<vmem>>, vector<16x10000xf32>,
    return
  }
}

module attributes {stable_mosaic.version = 14 : i64} {
  func.func @_adj_kernel(%arg0: i32, %arg1: i32, %arg2: memref<2048x16xf32, #tpu.memory_space<vmem>>, %arg3: memref<16x2048xf32, #tpu.memory_space<vmem>>, %arg4: memref<2048x2048xf32, #tpu.memory_space<vmem>>) attributes {dimension_semantics = [#tpu.dimension_semantics<arbitrary>, #tpu.dimension_semantics<arbitrary>], iteration_bounds = array<i64: 5, 5>, scalar_prefetch = 0 : i64, scratch_operands = 0 : i64, tpu.core_type = #tpu.core_type<tc>, window_params = [{transform_indices = @transform_0, window_bounds = array<i64: 2048, 16>}, {transform_indices = @transform_1, window_bounds = array<i64: 16, 2048>}, {transform_indices = @transform_2, window_bounds = array<i64: 2048, 2048>}]} {
    %get3A = arith.constant 0 : index
    %get3A_0 = arith.constant 0 : index
    %get3A_1 = vector.load %arg2[%get3A, %get3A_0] : memref<2048x16xf32, #tpu.memory_space<vmem>>, vector<2048x16xf32>
    %get3A_2 = arith.constant 0 : index
    %get3A_3 = arith.constant 0 : index
    %get3A_4 = vector.load %arg3[%get3A_2, %get3A_3] : memref<16x2048xf32, #tpu.memory_space<vmem>>, vector<16x2048xf32>
    %dot_general3A = arith.constant dense<0.000000e+00> : vector<2048x2048xf32>
    %dot_general3A_5 = tpu.matmul %get3A_1, %get3A_4, %dot_general3A {dimension_numbers = #tpu.dot_dimension_numbers<[1], [0], [0], [1], [0, 0, 1, 1], [], []>, transpose_lhs_hint = false} : vector<2048x16xf32>, vector<16x2048xf32>, vector<2048x2048xf32> -> vector<2048x2048xf32>
    %swap3A = arith.constant 0 : index
    %swap3A_6 = arith.constant 0 : index
    %swap3A_7 = vector.load %arg4[%swap3A, %swap3A_6] : memref<2048x2048xf32, #tpu.memory_space<vmem>>, vector<2048x2048xf32>
    tpu.vector_store %arg4[%swap3A, %swap3A_6], %dot_general3A_5 {strides = array<i32>} : memref<2048x2048xf32, #tpu.memory_space<vmem>>, vector<2048x2048xf32>,
    return
  }
  func.func @transform_0(%arg0: i32, %arg1: i32) -> (i32, i32) {
    %c0_i32 = arith.constant 0 : i32
    %c0_i32_0 = arith.constant 0 : i32
    return %arg0, %c0_i32 : i32, i32
  }
  func.func @transform_1(%arg0: i32, %arg1: i32) -> (i32, i32) {
    %c0_i32 = arith.constant 0 : i32
    %c0_i32_0 = arith.constant 0 : i32
    return %c0_i32, %arg1 : i32, i32
  }
  func.func @transform_2(%arg0: i32, %arg1: i32) -> (i32, i32) {
    %c0_i32 = arith.constant 0 : i32
    return %arg0, %arg1 : i32, i32
  }
}

</mosaic_0001>

<sc_bundles>
// kernel: kernel.11.cloned.1.call-start
scs
__scs_entry_jumppad:
0x0: {  	(pc) =	sbr.rel $0x88, $3  }
0x1: {  	(tag) =	ssettag $0x0;
	lr =	simm.s32 $0x1  }
0x2: {  	[smem:$0x3F9D] =	sst lr;
	_ =	strace $0xD0000000  }
0x3: {  	_ = 	snop  }
0x4: {  	_ = 	snop  }
0x5: {  	_ = 	snop  }
0x6: {  	_ = 	snop  }
0x7: {  	_ = 	snop  }
__scs_overlays_trampoline_lowered:
0x8: {  	[smem:$0x3FAC] =	sst s0  }
0x9: {  	[smem:$0x3FAD] =	sst s1  }
0xa: {  	[smem:$0x3FAE] =	sst s2  }
0xb: {  	[smem:$0x3FAF] =	sst s3  }
0xc: {  	[smem:$0x3FB0] =	sst s4  }
0xd: {  	[smem:$0x3FB1] =	sst s5  }
0xe: {  	[smem:$0x3FB2] =	sst s6  }
0xf: {  	[smem:$0x3FB3] =	sst s7  }
0x10: {  	[smem:$0x3FB4] =	sst s8  }
0x11: {  	[smem:$0x3FB5] =	sst s9;
	s0 =	simm.s32 @!p0 $0x0  }
0x12: {  	s1 =	sld [smem:$0x3F9B];
	s0 =	simm.s32 @p0 $0x1  }
0x13: {  	[smem:$0x3FB6] =	sst s0;
	s0 =	simm.s32 @!p1 $0x0  }
0x14: {  	s2 =	sld [smem:$0x3F9A];
	s0 =	simm.s32 @p1 $0x1  }
0x15: {  	[smem:$0x3FB7] =	sst s0;
	s0 =	simm.s32 @!p2 $0x0  }
0x16: {  	s3 =	sld [smem:$0x3FDB];
	s0 =	simm.s32 @p2 $0x1  }
0x17: {  	s4 =	simm.s32 $0x1BF5;
	[smem:$0x3FB9] =	sst s0  }
0x18: {  	s0 =	sld [smem:$0x3F9C];
	_ =	swait.ge [sflag:s4], $0x0  }
0x19: {  	s7 =	sld [smem:$0x3F9D]  }
0x1a: {  	s8 =	sadd.s32 $0xFFFFE003, lr  }
0x1b: {  	s9 =	sadd.s32 $0xFFFFFEF7, lr;
	s5 =	simm.s32 $0xFFFFFFFF;
	p2 =	slt.u32 s8, $0xFFFFF086  }
0x1c: {  	p1 =	slt.u32 s9, $0xF7A;
	s5 =	simm.s32 @!p2 $0x0  }
0x1d: {  	s5 =	simm.s32 @p1 $0x1;
	p0 =	seq.s32 s7, s2  }
0x1e: {  	s7 =	smul.u32 @!p0 $0xF7A, s2;
	p2 =	seq.s32 @!p0 s5, $0x0  }
0x1f: {  	s9 =	smul.u32 $0xF7A, s1;
	s8 =	simm.s32 @!p0 $0x1BF5;
	p2 =	por !p2, p0  }
0x20: {  	[sflag:s8] =	ssyncset.s32 @!p0 $0xFFFFF086;
	s6 =	sadd.s32 @!p0 s3, s7;
	s7 =	simm.s32 @!p0 $0x108  }
0x21: {  	s3 =	sadd.s32 s3, s9;
	s6 =	sadd.s32 @!p0 $0x88, s6;
	s7 =	simm.s32 @p2 $0x1082  }
0x22: {  	[simem:s7], [sflag:s8] =	dma.local @!p0 [hbm:s6], $0xF7A  }
0x23: {  	s9 =	sor.u32 $0xD0000000, s2;
	s6 =	simm.s32 $0x108;
	_ =	swait.ge @!p0 [sflag:s8], $0x0  }
0x24: {  	s3 =	sadd.s32 $0x88, s3;
	s6 =	simm.s32 @!p1 $0x1082;
	[sflag:s4] =	ssyncset.s32 $0xFFFFF086  }
0x25: {  	[simem:s6], [sflag:s4] =	dma.local [hbm:s3], $0xF7A  }
0x26: {  	[smem:$0x3F9D] =	sst s1;
	(tag) =	ssettag s2;
	_ =	strace s9  }
0x27: {  	s1 =	sld [smem:$0x3FAD]  }
0x28: {  	s2 =	sld [smem:$0x3FAE]  }
0x29: {  	s4 =	sld [smem:$0x3FB0]  }
0x2a: {  	p0 =	seq.s32 s5, $0x0;
	s5 =	sld [smem:$0x3FB1]  }
0x2b: {  	s6 =	sld [smem:$0x3FB2]  }
0x2c: {  	s7 =	sld [smem:$0x3FB3]  }
0x2d: {  	s3 =	simm.s32 $0x108;
	s8 =	sld [smem:$0x3FB4]  }
0x2e: {  	s3 =	simm.s32 @!p0 $0x1082;
	s9 =	sld [smem:$0x3FB5]  }
0x2f: {  	lr =	sadd.s32 s0, s3;
	s0 =	sld [smem:$0x3FAC]  }
0x30: {  	s3 =	sld [smem:$0x3FAF]  }
0x31: {  	[smem:$0x3FB8] =	sst s10  }
0x32: {  	s10 =	sld [smem:$0x3FB6];
	_ =	sdelay $0x3  }
0x33: {  	p0 =	seq.s32 s10, $0x1;
	s10 =	sld [smem:$0x3FB8];
	_ =	sdelay $0x3  }
0x34: {  	[smem:$0x3FB8] =	sst s10  }
0x35: {  	s10 =	sld [smem:$0x3FB7];
	_ =	sdelay $0x3  }
0x36: {  	p1 =	seq.s32 s10, $0x1;
	s10 =	sld [smem:$0x3FB8];
	_ =	sdelay $0x3  }
0x37: {  	[smem:$0x3FB8] =	sst s10  }
0x38: {  	s10 =	sld [smem:$0x3FB9]  }
0x39: {  	_ = 	snop;
	(pc) =	sbr.ind lr, $3  }
0x3a: {  	_ = 	snop  }
0x3b: {  	_ = 	snop  }
0x3c: {  	p2 =	seq.s32 s10, $0x1;
	s10 =	sld [smem:$0x3FB8]  }
0x3d: {  	_ =	shalt  }
0x3e: {  	_ =	shalt  }
0x3f: {  	_ =	shalt  }
0x40: {  	_ =	shalt  }
0x41: {  	_ =	shalt  }
0x42: {  	_ =	shalt  }
0x43: {  	_ =	shalt  }
0x44: {  	_ =	shalt  }
0x45: {  	_ =	shalt  }
0x46: {  	_ =	shalt  }
0x47: {  	_ =	shalt  }
0x48: {  	_ =	shalt  }
0x49: {  	_ =	shalt  }
0x4a: {  	_ =	shalt  }
0x4b: {  	_ =	shalt  }
0x4c: {  	_ =	shalt  }
0x4d: {  	_ =	shalt  }
0x4e: {  	_ =	shalt  }
0x4f: {  	_ =	shalt  }
0x50: {  	_ =	shalt  }
0x51: {  	_ =	shalt  }
0x52: {  	_ =	shalt  }
0x53: {  	_ =	shalt  }
0x54: {  	_ =	shalt  }
0x55: {  	_ =	shalt  }
0x56: {  	_ =	shalt  }
0x57: {  	_ =	shalt  }
0x58: {  	_ =	shalt  }
0x59: {  	_ =	shalt  }
0x5a: {  	_ =	shalt  }
0x5b: {  	_ =	shalt  }
0x5c: {  	_ =	shalt  }
0x5d: {  	_ =	shalt  }
0x5e: {  	_ =	shalt  }
0x5f: {  	_ =	shalt  }
0x60: {  	_ =	shalt  }
0x61: {  	_ =	shalt  }
0x62: {  	_ =	shalt  }
0x63: {  	_ =	shalt  }
0x64: {  	_ =	shalt  }
0x65: {  	_ =	shalt  }
0x66: {  	_ =	shalt  }
0x67: {  	_ =	shalt  }
0x68: {  	_ =	shalt  }
0x69: {  	_ =	shalt  }
0x6a: {  	_ =	shalt  }
0x6b: {  	_ =	shalt  }
0x6c: {  	_ =	shalt  }
0x6d: {  	_ =	shalt  }
0x6e: {  	_ =	shalt  }
0x6f: {  	_ =	shalt  }
0x70: {  	_ =	shalt  }
0x71: {  	_ =	shalt  }
0x72: {  	_ =	shalt  }
0x73: {  	_ =	shalt  }
0x74: {  	_ =	shalt  }
0x75: {  	_ =	shalt  }
0x76: {  	_ =	shalt  }
0x77: {  	_ =	shalt  }
0x78: {  	_ =	shalt  }
0x79: {  	_ =	shalt  }
0x7a: {  	_ =	shalt  }
0x7b: {  	_ =	shalt  }
0x7c: {  	_ =	shalt  }
0x7d: {  	_ =	shalt  }
0x7e: {  	_ =	shalt  }
0x7f: {  	_ =	shalt  }
0x80: {  	_ =	shalt  }
0x81: {  	_ =	shalt  }
0x82: {  	_ =	shalt  }
0x83: {  	_ =	shalt  }
0x84: {  	_ =	shalt  }
0x85: {  	_ =	shalt  }
0x86: {  	_ =	shalt  }
0x87: {  	_ =	shalt  }
.Lfunc_end0:
.L_simem_size_0:
called_computation.1_lowered:
.L_overlay_start_0:
0x88: {  	s2 =	sld [smem:$0x3FD9]  }
0x89: {  	s3 =	sld [smem:$0x3FFE];
	_ =	sdelay $0x1  }
0x8a: {  	s1 =	srdreg.scid  }
0x8b: {  	s0 =	sand.u32 $0x1, s1  }
0x8c: {  	s14 =	sshll.u32 s0, $0xA;
	s2 =	sadd.s32 s3, s2  }
0x8d: {  	s2 =	sadd.s32 s2, s14  }
0x8e: {  	[smem:$0x3FC4] =	sst s2  }
0x8f: {  	_ = 	snop  }
0x90: {  	s2 =	sld [smem:$0x3FD0];
	_ =	sdelay $0x2  }
0x91: {  	s15 =	simm.s32 $0xA;
	s4 =	simm.s32 $0x10  }
0x92: {  	[smem:s4], [sflag:s15] =	dma.local [hbm:s2], $0x1  }
0x93: {  	_ =	swait.eq [sflag:s15], $0x1  }
0x94: {  	[sflag:s15] =	ssyncset.done $0x0  }
0x95: {  	[sflag:s15] =	ssyncadd.s32 $0xFFFFFFFF  }
0x96: {  	s16 =	sld [smem:$0x10];
	(tm) =	ssettm $0x1  }
0x97: {  	s17 =	sld [smem:$0x3FFB];
	_ =	sdelay $0x3  }
0x98: {  	_ =	strace s17  }
0x99: {  	s3 =	sld [smem:$0x3FFC];
	_ =	sdelay $0x3  }
0x9a: {  	_ =	strace s3  }
0x9b: {  	s3 =	sld [smem:$0x3FFD];
	_ =	sdelay $0x3  }
0x9c: {  	_ =	strace s3  }
0x9d: {  	_ =	strace $0x8FFFFFFF  }
0x9e: {  	s18 =	sld [smem:$0x3FDB];
	_ =	sdelay $0x1  }
0x9f: {  	s19 =	simm.s32 $_scs_section_size  }
0xa0: {  	s5 =	simm.s32 $_size__tile_overlayer_lowered;
	s6 =	simm.s32 $_tile_overlayer_lowered  }
0xa1: {  	s22 =	simm.s32 $0x1BFF;
	s21 =	sshll.u32 s6, $0x1;
	s3 =	sadd.s32 s19, s18  }
0xa2: {  	s7 =	simm.s32 $0x0;
	s20 =	sshll.u32 s5, $0x1;
	s5 =	sadd.s32 s21, s3  }
0xa3: {  	[timem:s7], [sflag:s22] =	dma.local [hbm:s5], s20  }
0xa4: {  	_ =	swait.ge [sflag:s22], s20  }
0xa5: {  	s4 =	ssub.s32 $0x0, s20;
	[sflag:s22] =	ssyncset.done $0x0  }
0xa6: {  	[sflag:s22] =	ssyncadd.s32 s4;
	_ =	sdelay $0x1  }
0xa7: {  	s23 =	simm.s32 $0x1B8B  }
0xa8: {  	_ =	swait.ge [sflag:s23], $0x1  }
0xa9: {  	[sflag:s23] =	ssyncset.done $0x0  }
0xaa: {  	s25 =	simm.s32 $0x1B8E;
	s24 =	sld [smem:$0x3FFE];
	[sflag:s23] =	ssyncadd.s32 $0xFFFFFFFF  }
0xab: {  	s26 =	simm.s32 $execute0_lowered;
	[smem:$0x3FD2] =	sst s25  }
0xac: {  	s5 =	sshll.u32 s26, $0x1;
	_ =	strace $0x80000049;
	[dreg:$0x1] =	wrdreg $0xFFFFFFFF  }
0xad: {  	s28 =	simm.s32 $_size_execute0_lowered;
	s3 =	sadd.s32 s3, s5;
	[dreg:$0x0] =	wrdreg $0x0  }
0xae: {  	s5 =	sshll.u32 s28, $0x1;
	[dreg:$0x2] =	wrdreg s3  }
0xaf: {  	[dreg:$0x3] =	wrdreg s5  }
0xb0: {  	[dreg:$0x4] =	wrdreg $0xC0  }
0xb1: {  	_ =	task [dreg:s7], $0x5FFFF  }
0xb2: {  	[dreg:$0x1] =	wrdreg $0xFFFFFFFF  }
0xb3: {  	[dreg:$0x0] =	wrdreg $0x60  }
0xb4: {  	[dreg:$0x2] =	wrdreg s24  }
0xb5: {  	[dreg:$0x3] =	wrdreg s16  }
0xb6: {  	[dreg:$0x4] =	wrdreg $0x9  }
0xb7: {  	_ =	task.clear_ibuf [dreg:s7], $0x5FFFF;
	_ =	strace $0x90000049  }
0xb8: {  	s29 =	simm.s32 $0x9;
	_ =	strace $0x8000004B  }
0xb9: {  	_ =	swait.ge [sflag:s29], $0x1  }
0xba: {  	[sflag:s29] =	ssyncadd.s32 $0xFFFFFFFF  }
0xbb: {  	_ =	strace $0x9000004B  }
0xbc: {  	_ =	sfence  }
0xbd: {  	s30 =	sld [smem:$0x0];
	_ =	sdelay $0x2  }
0xbe: {  	s31 =	sshll.u32 s1, $0xD;
	s1 =	sshrl.u32 s1, $0x2  }
0xbf: {  	s3 =	sand.u32 $0x4000, s31;
	s1 =	sadd.s32 s1, s30  }
0xc0: {  	s0 =	sor.u32 s3, s0;
	s1 =	sshll.u32 s1, $0x11  }
0xc1: {  	s0 =	sor.u32 s1, s0  }
0xc2: {  	s0 =	sadd.s32 $0x8F2B, s0  }
0xc3: {  	[sflag:s0] =	ssyncadd.remote.s32 $0x1  }
0xc4: {  	_ =	sfence.sel $0xFFFF  }
0xc5: {  	[dreg:$0x0] =	wrdreg $0xFFFFFFFF;
	(pc) =	sbr.abs _section_cstart, $3  }
0xc6: {  	[dreg:$0x1] =	wrdreg $0xFFFFFFFF  }
0xc7: {  	_ =	task.clear_ibuf [dreg:s7], $0x2FFFF;
	_ =	strace $0x9FFFFFFF  }
0xc8: {  	(tm) =	ssettm $0x7FFFFFFF  }
0xc9: {  	_ =	shalt  }
tec
execute0_lowered:
.L_overlay_start_1:
0x0: {  	(tag) =	ssettag $0x1  }
0x1: {  	s0 =	rddreg [dreg:$0x0]  }
0x2: {  	s1 =	rddreg [dreg:$0x1]  }
0x3: {  	s2 =	srdreg.scid;
	s6 =	stileid.u32;
	s16 =	simm.s32 $0x1  }
0x4: {  	s17 =	simm.s32 $0x7800;
	s18 =	simm.s32 $0xA000;
	s19 =	simm.s32 $0xC800  }
0x5: {  	s20 =	simm.s32 $0x2800;
	s21 =	simm.s32 $0xF000;
	s22 =	simm.s32 $0x11800  }
0x6: {  	s23 =	simm.s32 $0x14000;
	s24 =	simm.s32 $0x16800;
	s3 =	sand.u32 $0x1, s2  }
0x7: {  	s25 =	simm.s32 $0x0;
	s2 =	simm.s32 $0x0;
	s4 =	sshll.u32 s3, $0x4  }
0x8: {  	s8 =	sadd.s32 $0x14C00, s0;
	s9 =	sand.u32 $0x7, s6;
	s4 =	sor.u32 s6, s4  }
0x9: {  	[smem:$0x7FF] =	sst s2;
	s12 =	smul.u32 $0x28000, s9;
	s4 =	sshrl.u32 s4, $0x3  }
0xa: {  	s5 =	ssub.s32 $0x2, s3;
	s3 =	sadd.s32 $0xAC00, s0;
	s7 =	smul.u32 $0xA000, s4  }
0xb: {  	s9 =	smul.u32 $0xA000, s9;
	_ =	strace $0x8000004A;
	s28 =	sshrl.u32 s5, $0x1  }
0xc: {  	s4 =	sadd.s32 $0xC00, s0;
	s0 =	ssub.s32 s5, s28;
	s11 =	sadd.s32 $0x2800, s7  }
0xd: {  	s29 =	sshrl.u32 s7, $0x3;
	s13 =	sadd.s32 $0x5000, s7;
	s14 =	sadd.s32 $0x7800, s7  }
0xe: {  	s15 =	sadd.s32 s12, s7;
	s30 =	sshrl.u32 s11, $0x3;
	s5 =	sadd.s32 s8, s29  }
0xf: {  	s10 =	sshrl.u32 s13, $0x3;
	s31 =	sshrl.u32 s14, $0x3;
	s15 =	sshrl.u32 s15, $0x3  }
0x10: {  	s11 =	sadd.s32 s12, s11;
	s13 =	sadd.s32 s12, s13;
	s12 =	sadd.s32 s12, s14  }
0x11: {  	s6 =	sadd.s32 s8, s30;
	s7 =	sadd.s32 s8, s10;
	s8 =	sadd.s32 s8, s31  }
0x12: {  	s10 =	sadd.s32 s1, s15;
	s11 =	sshrl.u32 s11, $0x3;
	s13 =	sshrl.u32 s13, $0x3  }
0x13: {  	s14 =	sshrl.u32 s12, $0x3;
	s15 =	simm.s32 $0x5000;
	s11 =	sadd.s32 s1, s11  }
0x14: {  	v0 =	vimm.f32 $0.0e+00;
	s12 =	sadd.s32 s1, s13;
	s13 =	sadd.s32 s1, s14;
	s14 =	smax.u32 s0, $0x1  }
.LBB2_1:
0x15: {  	s0 =	simm.s32 $0xF020  }
0x16: {  	[tilespmem:s0+$0x10] =	vst v0  }
0x17: {  	[tilespmem:s0+$0xFFFFFFF0] =	vst v0  }
0x18: {  	[tilespmem:s0+$0x0] =	vst v0  }
0x19: {  	s26 =	simm.s32 $0x11820;
	[tilespmem:s0+$0xFFFFFFE0] =	vst v0  }
0x1a: {  	[tilespmem:s26+$0xFFFFFFE0] =	vst v0  }
0x1b: {  	[tilespmem:s26+$0x0] =	vst v0  }
0x1c: {  	[tilespmem:s26+$0xFFFFFFF0] =	vst v0  }
0x1d: {  	s28 =	simm.s32 $0x14020;
	[tilespmem:s26+$0x10] =	vst v0  }
0x1e: {  	[tilespmem:s28+$0xFFFFFFE0] =	vst v0  }
0x1f: {  	[tilespmem:s28+$0x0] =	vst v0  }
0x20: {  	s29 =	simm.s32 $0x16820;
	[tilespmem:s28+$0x10] =	vst v0  }
0x21: {  	[tilespmem:s29+$0xFFFFFFE0] =	vst v0  }
0x22: {  	s30 =	simm.s32 $0x0;
	s31 =	simm.s32 $0x14060;
	s1 =	simm.s32 $0x16860;
	[tilespmem:s29+$0x0] =	vst v0  }
.LBB2_2:
0x23: {  	s30 =	sadd.s32 $0x4, s30;
	[tilespmem:s29+$0x10] =	vst v0;
	s0 =	sadd.s32 $0x40, s0;
	s26 =	sadd.s32 $0x40, s26  }
0x24: {  	p0 =	slt.u32 s30, $0x27C;
	[tilespmem:s28+$0xFFFFFFF0] =	vst v0;
	s28 =	smov.u32 s31  }
0x25: {  	[tilespmem:s29+$0xFFFFFFF0] =	vst v0;
	s29 =	smov.u32 s1  }
0x26: {  	[tilespmem:s0+$0x10] =	vst v0  }
0x27: {  	[tilespmem:s0+$0xFFFFFFF0] =	vst v0  }
0x28: {  	[tilespmem:s0+$0x0] =	vst v0  }
0x29: {  	[tilespmem:s0+$0xFFFFFFE0] =	vst v0  }
0x2a: {  	[tilespmem:s26+$0xFFFFFFE0] =	vst v0  }
0x2b: {  	[tilespmem:s31+$0xFFFFFFE0] =	vst v0  }
0x2c: {  	[tilespmem:s1+$0xFFFFFFE0] =	vst v0  }
0x2d: {  	[tilespmem:s26+$0x0] =	vst v0  }
.Ltmp0:
0x2e: {  	[tilespmem:s31+$0x0] =	vst v0;
	(pc) =	sbr.rel @p0 .LBB2_2-.Ltmp0, $4  }
0x2f: {  	[tilespmem:s26+$0xFFFFFFF0] =	vst v0  }
0x30: {  	[tilespmem:s1+$0x0] =	vst v0  }
0x31: {  	[tilespmem:s26+$0x10] =	vst v0  }
0x32: {  	s31 =	sadd.s32 $0x40, s31;
	s1 =	sadd.s32 $0x40, s1;
	[tilespmem:s28+$0x10] =	vst v0  }
0x33: {  	[tilespmem:s29+$0x10] =	vst v0  }
0x34: {  	[tilespmem:s28+$0xFFFFFFF0] =	vst v0  }
0x35: {  	s26 =	simm.s32 $0x0;
	[tilespmem:s29+$0xFFFFFFF0] =	vst v0  }
0x36: {  	[tilespmem:s15], [sflag:$0x1] =	stream.linear.gather [hbm4b:s5+s26], $0x2800, $0x38;
	[tilespmem:$0x19000] =	vst v63  }
0x37: {  	_ =	swait.ge [sflag:s16], $0x2800  }
0x38: {  	[sflag:s16] =	ssyncset.done $0x0  }
0x39: {  	[sflag:s16] =	ssyncadd.s32 $0xFFFFD800  }
0x3a: {  	[tilespmem:s17], [sflag:$0x1] =	stream.linear.gather [hbm4b:s6+s26], $0x2800, $0x38;
	[tilespmem:$0x19000] =	vst v63  }
0x3b: {  	_ =	swait.ge [sflag:s16], $0x2800  }
0x3c: {  	[sflag:s16] =	ssyncset.done $0x0  }
0x3d: {  	[sflag:s16] =	ssyncadd.s32 $0xFFFFD800  }
0x3e: {  	[tilespmem:s18], [sflag:$0x1] =	stream.linear.gather [hbm4b:s7+s26], $0x2800, $0x38;
	[tilespmem:$0x19000] =	vst v63  }
0x3f: {  	_ =	swait.ge [sflag:s16], $0x2800  }
0x40: {  	[sflag:s16] =	ssyncset.done $0x0  }
0x41: {  	[sflag:s16] =	ssyncadd.s32 $0xFFFFD800  }
0x42: {  	[tilespmem:s19], [sflag:$0x1] =	stream.linear.gather [hbm4b:s8+s26], $0x2800, $0x38;
	[tilespmem:$0x19000] =	vst v63  }
0x43: {  	_ =	swait.ge [sflag:s16], $0x2800  }
0x44: {  	[sflag:s16] =	ssyncset.done $0x0  }
0x45: {  	[sflag:s16] =	ssyncadd.s32 $0xFFFFD800  }
.LBB2_4:
0x46: {  	s0 =	smul.u32 $0x2800, s26;
	_ =	sdelay $0x1  }
0x47: {  	s0 =	sadd.s32 s9, s0  }
0x48: {  	s0 =	sshrl.u32 s0, $0x3  }
0x49: {  	s1 =	sadd.s32 s3, s0  }
0x4a: {  	[tilespmem:s2], [sflag:$0x1] =	stream.linear.gather [hbm4b:s1+s2], $0x2800, $0x38;
	[tilespmem:$0x19000] =	vst v63  }
0x4b: {  	_ =	swait.ge [sflag:s16], $0x2800  }
0x4c: {  	[sflag:s16] =	ssyncset.done $0x0  }
0x4d: {  	s0 =	sadd.s32 s4, s0;
	[sflag:s16] =	ssyncadd.s32 $0xFFFFD800  }
0x4e: {  	[tilespmem:s20], [sflag:$0x1] =	stream.linear.gather [hbm4b:s0+s2], $0x2800, $0x38;
	[tilespmem:$0x19000] =	vst v63  }
0x4f: {  	_ =	swait.ge [sflag:s16], $0x2800  }
0x50: {  	[sflag:s16] =	ssyncset.done $0x0  }
0x51: {  	s28 =	simm.s32 $0x80;
	[sflag:s16] =	ssyncadd.s32 $0xFFFFD800  }
0x52: {  	v1 =	vld [tilespmem:s28+$0x0];
	_ =	sdelay $0x3  }
0x53: {  	s29 =	simm.s32 $0x2880  }
0x54: {  	v3 =	vld [tilespmem:s29+$0x0];
	_ =	sdelay $0x2  }
0x55: {  	v5 =	vld.idx.msk [tilespmem:v1+s15+$0x0], $0xffff;
	_ =	sdelay $0x1  }
0x56: {  	v2 =	vld [tilespmem:s28+$0xFFFFFF80];
	_ =	sdelay $0x2  }
0x57: {  	[tilespmem:v3+s21+$0x0] =	vst.idx.add.f32.msk $0xffff, v5  }
0x58: {  	v5 =	vld.idx.msk [tilespmem:v1+s17+$0x0], $0xffff  }
0x59: {  	v4 =	vld [tilespmem:s29+$0xFFFFFF80];
	_ =	sdelay $0x2  }
0x5a: {  	v6 =	vld.idx.msk [tilespmem:v2+s15+$0x0], $0xffff  }
0x5b: {  	[tilespmem:v3+s22+$0x0] =	vst.idx.add.f32.msk $0xffff, v5  }
0x5c: {  	v5 =	vld.idx.msk [tilespmem:v1+s18+$0x0], $0xffff;
	_ =	sdelay $0x2  }
0x5d: {  	[tilespmem:v4+s21+$0x0] =	vst.idx.add.f32.msk $0xffff, v6  }
0x5e: {  	v6 =	vld.idx.msk [tilespmem:v2+s17+$0x0], $0xffff  }
0x5f: {  	[tilespmem:v3+s23+$0x0] =	vst.idx.add.f32.msk $0xffff, v5  }
0x60: {  	v1 =	vld.idx.msk [tilespmem:v1+s19+$0x0], $0xffff;
	_ =	sdelay $0x2  }
0x61: {  	[tilespmem:v4+s22+$0x0] =	vst.idx.add.f32.msk $0xffff, v6  }
0x62: {  	v6 =	vld.idx.msk [tilespmem:v2+s18+$0x0], $0xffff  }
0x63: {  	[tilespmem:v3+s24+$0x0] =	vst.idx.add.f32.msk $0xffff, v1  }
0x64: {  	v1 =	vld [tilespmem:s28+$0x10];
	_ =	sdelay $0x2  }
0x65: {  	[tilespmem:v4+s23+$0x0] =	vst.idx.add.f32.msk $0xffff, v6  }
0x66: {  	v2 =	vld.idx.msk [tilespmem:v2+s19+$0x0], $0xffff  }
0x67: {  	v3 =	vld [tilespmem:s29+$0x10];
	_ =	sdelay $0x2  }
0x68: {  	v5 =	vld.idx.msk [tilespmem:v1+s15+$0x0], $0xffff  }
0x69: {  	[tilespmem:v4+s24+$0x0] =	vst.idx.add.f32.msk $0xffff, v2  }
0x6a: {  	v2 =	vld [tilespmem:s28+$0xFFFFFF90];
	_ =	sdelay $0x2  }
0x6b: {  	[tilespmem:v3+s21+$0x0] =	vst.idx.add.f32.msk $0xffff, v5  }
0x6c: {  	v5 =	vld.idx.msk [tilespmem:v1+s17+$0x0], $0xffff  }
0x6d: {  	v4 =	vld [tilespmem:s29+$0xFFFFFF90];
	_ =	sdelay $0x2  }
0x6e: {  	v6 =	vld.idx.msk [tilespmem:v2+s15+$0x0], $0xffff  }
0x6f: {  	[tilespmem:v3+s22+$0x0] =	vst.idx.add.f32.msk $0xffff, v5  }
0x70: {  	v5 =	vld.idx.msk [tilespmem:v1+s18+$0x0], $0xffff;
	_ =	sdelay $0x2  }
0x71: {  	[tilespmem:v4+s21+$0x0] =	vst.idx.add.f32.msk $0xffff, v6  }
0x72: {  	v6 =	vld.idx.msk [tilespmem:v2+s17+$0x0], $0xffff  }
0x73: {  	[tilespmem:v3+s23+$0x0] =	vst.idx.add.f32.msk $0xffff, v5  }
0x74: {  	v1 =	vld.idx.msk [tilespmem:v1+s19+$0x0], $0xffff;
	_ =	sdelay $0x2  }
0x75: {  	[tilespmem:v4+s22+$0x0] =	vst.idx.add.f32.msk $0xffff, v6  }
0x76: {  	v6 =	vld.idx.msk [tilespmem:v2+s18+$0x0], $0xffff  }
0x77: {  	[tilespmem:v3+s24+$0x0] =	vst.idx.add.f32.msk $0xffff, v1  }
0x78: {  	v1 =	vld [tilespmem:s28+$0x20];
	_ =	sdelay $0x2  }
0x79: {  	[tilespmem:v4+s23+$0x0] =	vst.idx.add.f32.msk $0xffff, v6  }
0x7a: {  	v2 =	vld.idx.msk [tilespmem:v2+s19+$0x0], $0xffff  }
0x7b: {  	v3 =	vld [tilespmem:s29+$0x20];
	_ =	sdelay $0x2  }
0x7c: {  	v5 =	vld.idx.msk [tilespmem:v1+s15+$0x0], $0xffff  }
0x7d: {  	[tilespmem:v4+s24+$0x0] =	vst.idx.add.f32.msk $0xffff, v2  }
0x7e: {  	v2 =	vld [tilespmem:s28+$0xFFFFFFA0];
	_ =	sdelay $0x2  }
0x7f: {  	[tilespmem:v3+s21+$0x0] =	vst.idx.add.f32.msk $0xffff, v5  }
0x80: {  	v5 =	vld.idx.msk [tilespmem:v1+s17+$0x0], $0xffff  }
0x81: {  	v4 =	vld [tilespmem:s29+$0xFFFFFFA0];
	_ =	sdelay $0x2  }
0x82: {  	v6 =	vld.idx.msk [tilespmem:v2+s15+$0x0], $0xffff  }
0x83: {  	[tilespmem:v3+s22+$0x0] =	vst.idx.add.f32.msk $0xffff, v5  }
0x84: {  	v5 =	vld.idx.msk [tilespmem:v1+s18+$0x0], $0xffff;
	_ =	sdelay $0x2  }
0x85: {  	[tilespmem:v4+s21+$0x0] =	vst.idx.add.f32.msk $0xffff, v6  }
0x86: {  	v6 =	vld.idx.msk [tilespmem:v2+s17+$0x0], $0xffff  }
0x87: {  	[tilespmem:v3+s23+$0x0] =	vst.idx.add.f32.msk $0xffff, v5  }
0x88: {  	v1 =	vld.idx.msk [tilespmem:v1+s19+$0x0], $0xffff;
	_ =	sdelay $0x2  }
0x89: {  	[tilespmem:v4+s22+$0x0] =	vst.idx.add.f32.msk $0xffff, v6  }
0x8a: {  	v6 =	vld.idx.msk [tilespmem:v2+s18+$0x0], $0xffff  }
0x8b: {  	[tilespmem:v3+s24+$0x0] =	vst.idx.add.f32.msk $0xffff, v1  }
0x8c: {  	v1 =	vld [tilespmem:s28+$0x30];
	_ =	sdelay $0x2  }
0x8d: {  	[tilespmem:v4+s23+$0x0] =	vst.idx.add.f32.msk $0xffff, v6  }
0x8e: {  	v2 =	vld.idx.msk [tilespmem:v2+s19+$0x0], $0xffff  }
0x8f: {  	v3 =	vld [tilespmem:s29+$0x30];
	_ =	sdelay $0x2  }
0x90: {  	v5 =	vld.idx.msk [tilespmem:v1+s15+$0x0], $0xffff  }
0x91: {  	[tilespmem:v4+s24+$0x0] =	vst.idx.add.f32.msk $0xffff, v2  }
0x92: {  	v2 =	vld [tilespmem:s28+$0xFFFFFFB0];
	_ =	sdelay $0x2  }
0x93: {  	[tilespmem:v3+s21+$0x0] =	vst.idx.add.f32.msk $0xffff, v5  }
0x94: {  	v5 =	vld.idx.msk [tilespmem:v1+s17+$0x0], $0xffff  }
0x95: {  	v4 =	vld [tilespmem:s29+$0xFFFFFFB0];
	_ =	sdelay $0x2  }
0x96: {  	v6 =	vld.idx.msk [tilespmem:v2+s15+$0x0], $0xffff  }
0x97: {  	[tilespmem:v3+s22+$0x0] =	vst.idx.add.f32.msk $0xffff, v5  }
0x98: {  	v5 =	vld.idx.msk [tilespmem:v1+s18+$0x0], $0xffff;
	_ =	sdelay $0x2  }
0x99: {  	[tilespmem:v4+s21+$0x0] =	vst.idx.add.f32.msk $0xffff, v6  }
0x9a: {  	v6 =	vld.idx.msk [tilespmem:v2+s17+$0x0], $0xffff  }
0x9b: {  	[tilespmem:v3+s23+$0x0] =	vst.idx.add.f32.msk $0xffff, v5  }
0x9c: {  	v1 =	vld.idx.msk [tilespmem:v1+s19+$0x0], $0xffff  }
0x9d: {  	s1 =	simm.s32 $0x180  }
0x9e: {  	v7 =	vld [tilespmem:s1+$0x0]  }
0x9f: {  	[tilespmem:v4+s22+$0x0] =	vst.idx.add.f32.msk $0xffff, v6  }
0xa0: {  	v6 =	vld.idx.msk [tilespmem:v2+s18+$0x0], $0xffff  }
0xa1: {  	[tilespmem:v3+s24+$0x0] =	vst.idx.add.f32.msk $0xffff, v1  }
0xa2: {  	v1 =	vld [tilespmem:s28+$0x40]  }
0xa3: {  	s30 =	simm.s32 $0x2980;
	v8 =	vld [tilespmem:s1+$0xFFFFFF80]  }
0xa4: {  	v9 =	vld [tilespmem:s30+$0x0]  }
0xa5: {  	[tilespmem:v4+s23+$0x0] =	vst.idx.add.f32.msk $0xffff, v6  }
0xa6: {  	v2 =	vld.idx.msk [tilespmem:v2+s19+$0x0], $0xffff  }
0xa7: {  	v3 =	vld [tilespmem:s29+$0x40]  }
0xa8: {  	v10 =	vld [tilespmem:s30+$0xFFFFFF80]  }
0xa9: {  	v11 =	vld.idx.msk [tilespmem:v7+s15+$0x0], $0xffff  }
0xaa: {  	v5 =	vld.idx.msk [tilespmem:v1+s15+$0x0], $0xffff  }
0xab: {  	[tilespmem:v4+s24+$0x0] =	vst.idx.add.f32.msk $0xffff, v2  }
0xac: {  	v2 =	vld [tilespmem:s28+$0xFFFFFFC0]  }
0xad: {  	v12 =	vld.idx.msk [tilespmem:v8+s15+$0x0], $0xffff  }
0xae: {  	[tilespmem:v9+s21+$0x0] =	vst.idx.add.f32.msk $0xffff, v11  }
0xaf: {  	[tilespmem:v3+s21+$0x0] =	vst.idx.add.f32.msk $0xffff, v5  }
0xb0: {  	v5 =	vld.idx.msk [tilespmem:v1+s17+$0x0], $0xffff  }
0xb1: {  	v4 =	vld [tilespmem:s29+$0xFFFFFFC0]  }
0xb2: {  	v11 =	vld.idx.msk [tilespmem:v7+s17+$0x0], $0xffff  }
0xb3: {  	[tilespmem:v10+s21+$0x0] =	vst.idx.add.f32.msk $0xffff, v12  }
0xb4: {  	v6 =	vld.idx.msk [tilespmem:v2+s15+$0x0], $0xffff  }
0xb5: {  	[tilespmem:v3+s22+$0x0] =	vst.idx.add.f32.msk $0xffff, v5  }
0xb6: {  	v5 =	vld.idx.msk [tilespmem:v1+s18+$0x0], $0xffff  }
0xb7: {  	[tilespmem:v9+s22+$0x0] =	vst.idx.add.f32.msk $0xffff, v11  }
0xb8: {  	v11 =	vld.idx.msk [tilespmem:v7+s18+$0x0], $0xffff  }
0xb9: {  	[tilespmem:v4+s21+$0x0] =	vst.idx.add.f32.msk $0xffff, v6  }
0xba: {  	v6 =	vld.idx.msk [tilespmem:v2+s17+$0x0], $0xffff  }
0xbb: {  	[tilespmem:v3+s23+$0x0] =	vst.idx.add.f32.msk $0xffff, v5  }
0xbc: {  	v5 =	vld.idx.msk [tilespmem:v8+s17+$0x0], $0xffff  }
0xbd: {  	[tilespmem:v9+s23+$0x0] =	vst.idx.add.f32.msk $0xffff, v11  }
0xbe: {  	v1 =	vld.idx.msk [tilespmem:v1+s19+$0x0], $0xffff  }
0xbf: {  	[tilespmem:v4+s22+$0x0] =	vst.idx.add.f32.msk $0xffff, v6  }
0xc0: {  	v6 =	vld.idx.msk [tilespmem:v2+s18+$0x0], $0xffff  }
0xc1: {  	[tilespmem:v10+s22+$0x0] =	vst.idx.add.f32.msk $0xffff, v5  }
0xc2: {  	v5 =	vld.idx.msk [tilespmem:v7+s19+$0x0], $0xffff  }
0xc3: {  	[tilespmem:v3+s24+$0x0] =	vst.idx.add.f32.msk $0xffff, v1  }
0xc4: {  	v3 =	vld.idx.msk [tilespmem:v8+s18+$0x0], $0xffff  }
0xc5: {  	[tilespmem:v4+s23+$0x0] =	vst.idx.add.f32.msk $0xffff, v6  }
0xc6: {  	v2 =	vld.idx.msk [tilespmem:v2+s19+$0x0], $0xffff  }
0xc7: {  	v1 =	vld [tilespmem:s28+$0x50]  }
0xc8: {  	[tilespmem:v9+s24+$0x0] =	vst.idx.add.f32.msk $0xffff, v5  }
0xc9: {  	[tilespmem:v10+s23+$0x0] =	vst.idx.add.f32.msk $0xffff, v3  }
0xca: {  	v5 =	vld [tilespmem:s1+$0x10]  }
0xcb: {  	v3 =	vld.idx.msk [tilespmem:v8+s19+$0x0], $0xffff  }
0xcc: {  	v6 =	vld [tilespmem:s29+$0x50]  }
0xcd: {  	[tilespmem:v4+s24+$0x0] =	vst.idx.add.f32.msk $0xffff, v2  }
0xce: {  	v4 =	vld [tilespmem:s30+$0x10]  }
0xcf: {  	v7 =	vld.idx.msk [tilespmem:v1+s15+$0x0], $0xffff  }
0xd0: {  	[tilespmem:v10+s24+$0x0] =	vst.idx.add.f32.msk $0xffff, v3  }
0xd1: {  	v3 =	vld [tilespmem:s1+$0xFFFFFF90]  }
0xd2: {  	v8 =	vld.idx.msk [tilespmem:v5+s15+$0x0], $0xffff;
	_ =	sdelay $0x1  }
0xd3: {  	[tilespmem:v6+s21+$0x0] =	vst.idx.add.f32.msk $0xffff, v7  }
0xd4: {  	v2 =	vld.idx.msk [tilespmem:v1+s17+$0x0], $0xffff  }
0xd5: {  	v7 =	vld [tilespmem:s30+$0xFFFFFF90]  }
0xd6: {  	[tilespmem:v4+s21+$0x0] =	vst.idx.add.f32.msk $0xffff, v8  }
0xd7: {  	v8 =	vld.idx.msk [tilespmem:v5+s17+$0x0], $0xffff  }
0xd8: {  	v11 =	vld.idx.msk [tilespmem:v3+s15+$0x0], $0xffff  }
0xd9: {  	[tilespmem:v6+s22+$0x0] =	vst.idx.add.f32.msk $0xffff, v2  }
0xda: {  	v2 =	vld.idx.msk [tilespmem:v1+s18+$0x0], $0xffff;
	_ =	sdelay $0x1  }
0xdb: {  	[tilespmem:v4+s22+$0x0] =	vst.idx.add.f32.msk $0xffff, v8  }
0xdc: {  	[tilespmem:v7+s21+$0x0] =	vst.idx.add.f32.msk $0xffff, v11  }
0xdd: {  	v8 =	vld.idx.msk [tilespmem:v5+s18+$0x0], $0xffff  }
0xde: {  	[tilespmem:v6+s23+$0x0] =	vst.idx.add.f32.msk $0xffff, v2  }
0xdf: {  	v2 =	vld.idx.msk [tilespmem:v3+s17+$0x0], $0xffff  }
0xe0: {  	v9 =	vld [tilespmem:s28+$0xFFFFFFD0]  }
0xe1: {  	v1 =	vld.idx.msk [tilespmem:v1+s19+$0x0], $0xffff  }
0xe2: {  	v10 =	vld [tilespmem:s29+$0xFFFFFFD0]  }
0xe3: {  	[tilespmem:v4+s23+$0x0] =	vst.idx.add.f32.msk $0xffff, v8  }
0xe4: {  	[tilespmem:v7+s22+$0x0] =	vst.idx.add.f32.msk $0xffff, v2  }
0xe5: {  	v5 =	vld.idx.msk [tilespmem:v5+s19+$0x0], $0xffff  }
0xe6: {  	[tilespmem:v6+s24+$0x0] =	vst.idx.add.f32.msk $0xffff, v1  }
0xe7: {  	v2 =	vld.idx.msk [tilespmem:v3+s18+$0x0], $0xffff  }
0xe8: {  	v1 =	vld [tilespmem:s28+$0x60];
	_ =	sdelay $0x1  }
0xe9: {  	v6 =	vld.idx.msk [tilespmem:v9+s15+$0x0], $0xffff  }
0xea: {  	v8 =	vld [tilespmem:s29+$0x60]  }
0xeb: {  	[tilespmem:v4+s24+$0x0] =	vst.idx.add.f32.msk $0xffff, v5  }
0xec: {  	[tilespmem:v7+s23+$0x0] =	vst.idx.add.f32.msk $0xffff, v2  }
0xed: {  	v2 =	vld.idx.msk [tilespmem:v3+s19+$0x0], $0xffff  }
0xee: {  	[tilespmem:v10+s21+$0x0] =	vst.idx.add.f32.msk $0xffff, v6  }
0xef: {  	v6 =	vld.idx.msk [tilespmem:v1+s15+$0x0], $0xffff  }
0xf0: {  	v3 =	vld [tilespmem:s1+$0x20]  }
0xf1: {  	v4 =	vld.idx.msk [tilespmem:v9+s17+$0x0], $0xffff  }
0xf2: {  	[tilespmem:v7+s24+$0x0] =	vst.idx.add.f32.msk $0xffff, v2  }
0xf3: {  	v2 =	vld [tilespmem:s1+$0xFFFFFFA0]  }
0xf4: {  	[tilespmem:v8+s21+$0x0] =	vst.idx.add.f32.msk $0xffff, v6  }
0xf5: {  	v5 =	vld.idx.msk [tilespmem:v1+s17+$0x0], $0xffff  }
0xf6: {  	v6 =	vld [tilespmem:s30+$0x20]  }
0xf7: {  	[tilespmem:v10+s22+$0x0] =	vst.idx.add.f32.msk $0xffff, v4  }
0xf8: {  	v7 =	vld [tilespmem:s30+$0xFFFFFFA0]  }
0xf9: {  	v11 =	vld.idx.msk [tilespmem:v3+s15+$0x0], $0xffff  }
0xfa: {  	[tilespmem:v8+s22+$0x0] =	vst.idx.add.f32.msk $0xffff, v5  }
0xfb: {  	v12 =	vld.idx.msk [tilespmem:v2+s15+$0x0], $0xffff  }
0xfc: {  	v5 =	vld.idx.msk [tilespmem:v1+s18+$0x0], $0xffff  }
0xfd: {  	v4 =	vld.idx.msk [tilespmem:v9+s18+$0x0], $0xffff  }
0xfe: {  	[tilespmem:v6+s21+$0x0] =	vst.idx.add.f32.msk $0xffff, v11  }
0xff: {  	v11 =	vld.idx.msk [tilespmem:v3+s17+$0x0], $0xffff  }
0x100: {  	[tilespmem:v7+s21+$0x0] =	vst.idx.add.f32.msk $0xffff, v12  }
0x101: {  	[tilespmem:v8+s23+$0x0] =	vst.idx.add.f32.msk $0xffff, v5  }
0x102: {  	v5 =	vld.idx.msk [tilespmem:v2+s17+$0x0], $0xffff  }
0x103: {  	v1 =	vld.idx.msk [tilespmem:v1+s19+$0x0], $0xffff  }
0x104: {  	[tilespmem:v10+s23+$0x0] =	vst.idx.add.f32.msk $0xffff, v4  }
0x105: {  	[tilespmem:v6+s22+$0x0] =	vst.idx.add.f32.msk $0xffff, v11  }
0x106: {  	v11 =	vld.idx.msk [tilespmem:v3+s18+$0x0], $0xffff  }
0x107: {  	[tilespmem:v7+s22+$0x0] =	vst.idx.add.f32.msk $0xffff, v5  }
0x108: {  	[tilespmem:v8+s24+$0x0] =	vst.idx.add.f32.msk $0xffff, v1  }
0x109: {  	v5 =	vld.idx.msk [tilespmem:v2+s18+$0x0], $0xffff  }
0x10a: {  	v1 =	vld [tilespmem:s28+$0x70]  }
0x10b: {  	v4 =	vld.idx.msk [tilespmem:v9+s19+$0x0], $0xffff  }
0x10c: {  	v8 =	vld [tilespmem:s29+$0x70]  }
0x10d: {  	[tilespmem:v6+s23+$0x0] =	vst.idx.add.f32.msk $0xffff, v11  }
0x10e: {  	v3 =	vld.idx.msk [tilespmem:v3+s19+$0x0], $0xffff  }
0x10f: {  	[tilespmem:v7+s23+$0x0] =	vst.idx.add.f32.msk $0xffff, v5  }
0x110: {  	v2 =	vld.idx.msk [tilespmem:v2+s19+$0x0], $0xffff  }
0x111: {  	[tilespmem:v10+s24+$0x0] =	vst.idx.add.f32.msk $0xffff, v4  }
0x112: {  	v9 =	vld.idx.msk [tilespmem:v1+s15+$0x0], $0xffff  }
0x113: {  	[tilespmem:v6+s24+$0x0] =	vst.idx.add.f32.msk $0xffff, v3  }
0x114: {  	v5 =	vld [tilespmem:s1+$0x30]  }
0x115: {  	[tilespmem:v7+s24+$0x0] =	vst.idx.add.f32.msk $0xffff, v2  }
0x116: {  	v2 =	vld [tilespmem:s1+$0xFFFFFFB0]  }
0x117: {  	[tilespmem:v8+s21+$0x0] =	vst.idx.add.f32.msk $0xffff, v9  }
0x118: {  	v3 =	vld.idx.msk [tilespmem:v1+s17+$0x0], $0xffff  }
0x119: {  	v4 =	vld [tilespmem:s28+$0xFFFFFFE0]  }
0x11a: {  	v7 =	vld [tilespmem:s30+$0x30]  }
0x11b: {  	v6 =	vld [tilespmem:s30+$0xFFFFFFB0]  }
0x11c: {  	v10 =	vld.idx.msk [tilespmem:v5+s15+$0x0], $0xffff  }
0x11d: {  	[tilespmem:v8+s22+$0x0] =	vst.idx.add.f32.msk $0xffff, v3  }
0x11e: {  	v12 =	vld.idx.msk [tilespmem:v2+s15+$0x0], $0xffff  }
0x11f: {  	v3 =	vld.idx.msk [tilespmem:v1+s18+$0x0], $0xffff  }
0x120: {  	v11 =	vld [tilespmem:s29+$0xFFFFFFE0]  }
0x121: {  	v9 =	vld.idx.msk [tilespmem:v4+s15+$0x0], $0xffff  }
0x122: {  	[tilespmem:v7+s21+$0x0] =	vst.idx.add.f32.msk $0xffff, v10  }
0x123: {  	[tilespmem:v6+s21+$0x0] =	vst.idx.add.f32.msk $0xffff, v12  }
0x124: {  	[tilespmem:v8+s23+$0x0] =	vst.idx.add.f32.msk $0xffff, v3  }
0x125: {  	v3 =	vld.idx.msk [tilespmem:v5+s17+$0x0], $0xffff  }
0x126: {  	v10 =	vld.idx.msk [tilespmem:v2+s17+$0x0], $0xffff;
	_ =	sdelay $0x1  }
0x127: {  	[tilespmem:v11+s21+$0x0] =	vst.idx.add.f32.msk $0xffff, v9  }
0x128: {  	v9 =	vld.idx.msk [tilespmem:v4+s17+$0x0], $0xffff  }
0x129: {  	[tilespmem:v7+s22+$0x0] =	vst.idx.add.f32.msk $0xffff, v3  }
0x12a: {  	[tilespmem:v6+s22+$0x0] =	vst.idx.add.f32.msk $0xffff, v10  }
0x12b: {  	v3 =	vld.idx.msk [tilespmem:v5+s18+$0x0], $0xffff  }
0x12c: {  	v10 =	vld.idx.msk [tilespmem:v2+s18+$0x0], $0xffff  }
0x12d: {  	[tilespmem:v11+s22+$0x0] =	vst.idx.add.f32.msk $0xffff, v9  }
0x12e: {  	v9 =	vld.idx.msk [tilespmem:v4+s18+$0x0], $0xffff  }
0x12f: {  	v1 =	vld.idx.msk [tilespmem:v1+s19+$0x0], $0xffff  }
0x130: {  	[tilespmem:v7+s23+$0x0] =	vst.idx.add.f32.msk $0xffff, v3  }
0x131: {  	[tilespmem:v6+s23+$0x0] =	vst.idx.add.f32.msk $0xffff, v10  }
0x132: {  	v3 =	vld.idx.msk [tilespmem:v5+s19+$0x0], $0xffff  }
0x133: {  	v2 =	vld.idx.msk [tilespmem:v2+s19+$0x0], $0xffff  }
0x134: {  	[tilespmem:v11+s23+$0x0] =	vst.idx.add.f32.msk $0xffff, v9  }
0x135: {  	v4 =	vld.idx.msk [tilespmem:v4+s19+$0x0], $0xffff  }
0x136: {  	[tilespmem:v8+s24+$0x0] =	vst.idx.add.f32.msk $0xffff, v1  }
0x137: {  	[tilespmem:v7+s24+$0x0] =	vst.idx.add.f32.msk $0xffff, v3  }
0x138: {  	[tilespmem:v6+s24+$0x0] =	vst.idx.add.f32.msk $0xffff, v2  }
0x139: {  	v5 =	vld [tilespmem:s1+$0x40]  }
0x13a: {  	v2 =	vld [tilespmem:s1+$0xFFFFFFC0]  }
0x13b: {  	[tilespmem:v11+s24+$0x0] =	vst.idx.add.f32.msk $0xffff, v4  }
0x13c: {  	v3 =	vld [tilespmem:s28+$0xFFFFFFF0];
	s28 =	simm.s32 $0x280  }
0x13d: {  	v9 =	vld [tilespmem:s28+$0x0]  }
0x13e: {  	v7 =	vld [tilespmem:s30+$0x40]  }
0x13f: {  	v6 =	vld [tilespmem:s30+$0xFFFFFFC0]  }
0x140: {  	v1 =	vld [tilespmem:s29+$0xFFFFFFF0]  }
0x141: {  	v4 =	vld.idx.msk [tilespmem:v5+s15+$0x0], $0xffff  }
0x142: {  	s29 =	simm.s32 $0x2A80;
	v8 =	vld.idx.msk [tilespmem:v2+s15+$0x0], $0xffff  }
0x143: {  	v11 =	vld [tilespmem:s29+$0x0];
	_ =	sdelay $0x1  }
0x144: {  	v13 =	vld.idx.msk [tilespmem:v9+s15+$0x0], $0xffff  }
0x145: {  	[tilespmem:v7+s21+$0x0] =	vst.idx.add.f32.msk $0xffff, v4  }
0x146: {  	[tilespmem:v6+s21+$0x0] =	vst.idx.add.f32.msk $0xffff, v8  }
0x147: {  	v4 =	vld.idx.msk [tilespmem:v5+s17+$0x0], $0xffff  }
0x148: {  	v8 =	vld.idx.msk [tilespmem:v2+s17+$0x0], $0xffff  }
0x149: {  	v10 =	vld [tilespmem:s28+$0xFFFFFF80]  }
0x14a: {  	[tilespmem:v11+s21+$0x0] =	vst.idx.add.f32.msk $0xffff, v13  }
0x14b: {  	v13 =	vld.idx.msk [tilespmem:v9+s17+$0x0], $0xffff  }
0x14c: {  	[tilespmem:v7+s22+$0x0] =	vst.idx.add.f32.msk $0xffff, v4  }
0x14d: {  	[tilespmem:v6+s22+$0x0] =	vst.idx.add.f32.msk $0xffff, v8  }
0x14e: {  	v4 =	vld.idx.msk [tilespmem:v5+s18+$0x0], $0xffff  }
0x14f: {  	v8 =	vld.idx.msk [tilespmem:v2+s18+$0x0], $0xffff  }
0x150: {  	v12 =	vld [tilespmem:s29+$0xFFFFFF80]  }
0x151: {  	v14 =	vld.idx.msk [tilespmem:v10+s15+$0x0], $0xffff  }
0x152: {  	[tilespmem:v11+s22+$0x0] =	vst.idx.add.f32.msk $0xffff, v13  }
0x153: {  	[tilespmem:v7+s23+$0x0] =	vst.idx.add.f32.msk $0xffff, v4  }
0x154: {  	[tilespmem:v6+s23+$0x0] =	vst.idx.add.f32.msk $0xffff, v8  }
0x155: {  	v8 =	vld.idx.msk [tilespmem:v9+s18+$0x0], $0xffff  }
0x156: {  	v4 =	vld.idx.msk [tilespmem:v5+s19+$0x0], $0xffff;
	_ =	sdelay $0x1  }
0x157: {  	[tilespmem:v12+s21+$0x0] =	vst.idx.add.f32.msk $0xffff, v14  }
0x158: {  	v5 =	vld.idx.msk [tilespmem:v10+s17+$0x0], $0xffff  }
0x159: {  	[tilespmem:v11+s23+$0x0] =	vst.idx.add.f32.msk $0xffff, v8  }
0x15a: {  	[tilespmem:v7+s24+$0x0] =	vst.idx.add.f32.msk $0xffff, v4  }
0x15b: {  	v7 =	vld.idx.msk [tilespmem:v9+s19+$0x0], $0xffff  }
0x15c: {  	v4 =	vld [tilespmem:s1+$0x50]  }
0x15d: {  	v2 =	vld.idx.msk [tilespmem:v2+s19+$0x0], $0xffff  }
0x15e: {  	[tilespmem:v12+s22+$0x0] =	vst.idx.add.f32.msk $0xffff, v5  }
0x15f: {  	v5 =	vld.idx.msk [tilespmem:v10+s18+$0x0], $0xffff  }
0x160: {  	v8 =	vld [tilespmem:s30+$0x50]  }
0x161: {  	[tilespmem:v11+s24+$0x0] =	vst.idx.add.f32.msk $0xffff, v7  }
0x162: {  	v7 =	vld [tilespmem:s28+$0x10]  }
0x163: {  	[tilespmem:v6+s24+$0x0] =	vst.idx.add.f32.msk $0xffff, v2  }
0x164: {  	v13 =	vld.idx.msk [tilespmem:v4+s15+$0x0], $0xffff  }
0x165: {  	[tilespmem:v12+s23+$0x0] =	vst.idx.add.f32.msk $0xffff, v5  }
0x166: {  	v6 =	vld [tilespmem:s29+$0x10]  }
0x167: {  	v5 =	vld.idx.msk [tilespmem:v10+s19+$0x0], $0xffff  }
0x168: {  	v9 =	vld.idx.msk [tilespmem:v3+s15+$0x0], $0xffff  }
0x169: {  	[tilespmem:v8+s21+$0x0] =	vst.idx.add.f32.msk $0xffff, v13  }
0x16a: {  	v11 =	vld.idx.msk [tilespmem:v7+s15+$0x0], $0xffff  }
0x16b: {  	v2 =	vld.idx.msk [tilespmem:v4+s17+$0x0], $0xffff  }
0x16c: {  	[tilespmem:v12+s24+$0x0] =	vst.idx.add.f32.msk $0xffff, v5  }
0x16d: {  	v5 =	vld [tilespmem:s28+$0xFFFFFF90]  }
0x16e: {  	v10 =	vld [tilespmem:s29+$0xFFFFFF90]  }
0x16f: {  	[tilespmem:v6+s21+$0x0] =	vst.idx.add.f32.msk $0xffff, v11  }
0x170: {  	[tilespmem:v8+s22+$0x0] =	vst.idx.add.f32.msk $0xffff, v2  }
0x171: {  	v11 =	vld.idx.msk [tilespmem:v7+s17+$0x0], $0xffff  }
0x172: {  	v2 =	vld.idx.msk [tilespmem:v4+s18+$0x0], $0xffff  }
0x173: {  	[tilespmem:v1+s21+$0x0] =	vst.idx.add.f32.msk $0xffff, v9  }
0x174: {  	v12 =	vld [tilespmem:s1+$0xFFFFFFD0]  }
0x175: {  	v14 =	vld.idx.msk [tilespmem:v5+s15+$0x0], $0xffff  }
0x176: {  	[tilespmem:v6+s22+$0x0] =	vst.idx.add.f32.msk $0xffff, v11  }
0x177: {  	[tilespmem:v8+s23+$0x0] =	vst.idx.add.f32.msk $0xffff, v2  }
0x178: {  	v9 =	vld.idx.msk [tilespmem:v7+s18+$0x0], $0xffff  }
0x179: {  	v2 =	vld.idx.msk [tilespmem:v4+s19+$0x0], $0xffff  }
0x17a: {  	[tilespmem:v10+s21+$0x0] =	vst.idx.add.f32.msk $0xffff, v14  }
0x17b: {  	v4 =	vld.idx.msk [tilespmem:v5+s17+$0x0], $0xffff  }
0x17c: {  	v13 =	vld [tilespmem:s30+$0xFFFFFFD0]  }
0x17d: {  	[tilespmem:v6+s23+$0x0] =	vst.idx.add.f32.msk $0xffff, v9  }
0x17e: {  	[tilespmem:v8+s24+$0x0] =	vst.idx.add.f32.msk $0xffff, v2  }
0x17f: {  	v8 =	vld.idx.msk [tilespmem:v12+s15+$0x0], $0xffff  }
0x180: {  	[tilespmem:v10+s22+$0x0] =	vst.idx.add.f32.msk $0xffff, v4  }
0x181: {  	v7 =	vld.idx.msk [tilespmem:v7+s19+$0x0], $0xffff  }
0x182: {  	v4 =	vld.idx.msk [tilespmem:v5+s18+$0x0], $0xffff  }
0x183: {  	v2 =	vld [tilespmem:s1+$0x60]  }
0x184: {  	v9 =	vld [tilespmem:s30+$0x60]  }
0x185: {  	[tilespmem:v13+s21+$0x0] =	vst.idx.add.f32.msk $0xffff, v8  }
0x186: {  	[tilespmem:v6+s24+$0x0] =	vst.idx.add.f32.msk $0xffff, v7  }
0x187: {  	[tilespmem:v10+s23+$0x0] =	vst.idx.add.f32.msk $0xffff, v4  }
0x188: {  	v6 =	vld.idx.msk [tilespmem:v12+s17+$0x0], $0xffff  }
0x189: {  	v4 =	vld.idx.msk [tilespmem:v5+s19+$0x0], $0xffff;
	_ =	sdelay $0x1  }
0x18a: {  	v8 =	vld.idx.msk [tilespmem:v2+s15+$0x0], $0xffff  }
0x18b: {  	v5 =	vld [tilespmem:s28+$0x20]  }
0x18c: {  	[tilespmem:v13+s22+$0x0] =	vst.idx.add.f32.msk $0xffff, v6  }
0x18d: {  	[tilespmem:v10+s24+$0x0] =	vst.idx.add.f32.msk $0xffff, v4  }
0x18e: {  	v4 =	vld [tilespmem:s28+$0xFFFFFFA0]  }
0x18f: {  	[tilespmem:v9+s21+$0x0] =	vst.idx.add.f32.msk $0xffff, v8  }
0x190: {  	v7 =	vld.idx.msk [tilespmem:v2+s17+$0x0], $0xffff  }
0x191: {  	v8 =	vld [tilespmem:s29+$0x20]  }
0x192: {  	v6 =	vld.idx.msk [tilespmem:v12+s18+$0x0], $0xffff  }
0x193: {  	v10 =	vld [tilespmem:s29+$0xFFFFFFA0]  }
0x194: {  	v11 =	vld.idx.msk [tilespmem:v5+s15+$0x0], $0xffff  }
0x195: {  	[tilespmem:v9+s22+$0x0] =	vst.idx.add.f32.msk $0xffff, v7  }
0x196: {  	v7 =	vld.idx.msk [tilespmem:v2+s18+$0x0], $0xffff  }
0x197: {  	v14 =	vld.idx.msk [tilespmem:v4+s15+$0x0], $0xffff  }
0x198: {  	[tilespmem:v13+s23+$0x0] =	vst.idx.add.f32.msk $0xffff, v6  }
0x199: {  	[tilespmem:v8+s21+$0x0] =	vst.idx.add.f32.msk $0xffff, v11  }
0x19a: {  	v11 =	vld.idx.msk [tilespmem:v5+s17+$0x0], $0xffff  }
0x19b: {  	[tilespmem:v9+s23+$0x0] =	vst.idx.add.f32.msk $0xffff, v7  }
0x19c: {  	[tilespmem:v10+s21+$0x0] =	vst.idx.add.f32.msk $0xffff, v14  }
0x19d: {  	v2 =	vld.idx.msk [tilespmem:v2+s19+$0x0], $0xffff  }
0x19e: {  	v6 =	vld.idx.msk [tilespmem:v4+s17+$0x0], $0xffff  }
0x19f: {  	[tilespmem:v8+s22+$0x0] =	vst.idx.add.f32.msk $0xffff, v11  }
0x1a0: {  	v11 =	vld.idx.msk [tilespmem:v3+s17+$0x0], $0xffff  }
0x1a1: {  	v7 =	vld.idx.msk [tilespmem:v5+s18+$0x0], $0xffff  }
0x1a2: {  	[tilespmem:v9+s24+$0x0] =	vst.idx.add.f32.msk $0xffff, v2  }
0x1a3: {  	v9 =	vld.idx.msk [tilespmem:v12+s19+$0x0], $0xffff  }
0x1a4: {  	[tilespmem:v10+s22+$0x0] =	vst.idx.add.f32.msk $0xffff, v6  }
0x1a5: {  	v2 =	vld [tilespmem:s1+$0x70]  }
0x1a6: {  	v6 =	vld.idx.msk [tilespmem:v4+s18+$0x0], $0xffff  }
0x1a7: {  	[tilespmem:v1+s22+$0x0] =	vst.idx.add.f32.msk $0xffff, v11  }
0x1a8: {  	[tilespmem:v8+s23+$0x0] =	vst.idx.add.f32.msk $0xffff, v7  }
0x1a9: {  	v7 =	vld [tilespmem:s30+$0x70]  }
0x1aa: {  	v5 =	vld.idx.msk [tilespmem:v5+s19+$0x0], $0xffff  }
0x1ab: {  	[tilespmem:v13+s24+$0x0] =	vst.idx.add.f32.msk $0xffff, v9  }
0x1ac: {  	[tilespmem:v10+s23+$0x0] =	vst.idx.add.f32.msk $0xffff, v6  }
0x1ad: {  	v4 =	vld.idx.msk [tilespmem:v4+s19+$0x0], $0xffff  }
0x1ae: {  	v12 =	vld.idx.msk [tilespmem:v2+s15+$0x0], $0xffff  }
0x1af: {  	[tilespmem:v8+s24+$0x0] =	vst.idx.add.f32.msk $0xffff, v5  }
0x1b0: {  	v8 =	vld [tilespmem:s28+$0x30]  }
0x1b1: {  	v6 =	vld [tilespmem:s1+$0xFFFFFFE0]  }
0x1b2: {  	[tilespmem:v10+s24+$0x0] =	vst.idx.add.f32.msk $0xffff, v4  }
0x1b3: {  	[tilespmem:v7+s21+$0x0] =	vst.idx.add.f32.msk $0xffff, v12  }
0x1b4: {  	v5 =	vld.idx.msk [tilespmem:v2+s17+$0x0], $0xffff  }
0x1b5: {  	v4 =	vld [tilespmem:s28+$0xFFFFFFB0]  }
0x1b6: {  	v9 =	vld [tilespmem:s29+$0x30]  }
0x1b7: {  	v14 =	vld [tilespmem:s30+$0xFFFFFFE0]  }
0x1b8: {  	v13 =	vld.idx.msk [tilespmem:v8+s15+$0x0], $0xffff  }
0x1b9: {  	[tilespmem:v7+s22+$0x0] =	vst.idx.add.f32.msk $0xffff, v5  }
0x1ba: {  	v5 =	vld.idx.msk [tilespmem:v2+s18+$0x0], $0xffff  }
0x1bb: {  	v10 =	vld [tilespmem:s29+$0xFFFFFFB0]  }
0x1bc: {  	v12 =	vld.idx.msk [tilespmem:v6+s15+$0x0], $0xffff  }
0x1bd: {  	v15 =	vld.idx.msk [tilespmem:v4+s15+$0x0], $0xffff  }
0x1be: {  	[tilespmem:v9+s21+$0x0] =	vst.idx.add.f32.msk $0xffff, v13  }
0x1bf: {  	[tilespmem:v7+s23+$0x0] =	vst.idx.add.f32.msk $0xffff, v5  }
0x1c0: {  	v5 =	vld.idx.msk [tilespmem:v8+s17+$0x0], $0xffff  }
0x1c1: {  	v2 =	vld.idx.msk [tilespmem:v2+s19+$0x0], $0xffff  }
0x1c2: {  	[tilespmem:v14+s21+$0x0] =	vst.idx.add.f32.msk $0xffff, v12  }
0x1c3: {  	[tilespmem:v10+s21+$0x0] =	vst.idx.add.f32.msk $0xffff, v15  }
0x1c4: {  	v11 =	vld.idx.msk [tilespmem:v4+s17+$0x0], $0xffff  }
0x1c5: {  	[tilespmem:v9+s22+$0x0] =	vst.idx.add.f32.msk $0xffff, v5  }
0x1c6: {  	[tilespmem:v7+s24+$0x0] =	vst.idx.add.f32.msk $0xffff, v2  }
0x1c7: {  	v2 =	vld.idx.msk [tilespmem:v6+s17+$0x0], $0xffff  }
0x1c8: {  	v5 =	vld.idx.msk [tilespmem:v8+s18+$0x0], $0xffff  }
0x1c9: {  	[tilespmem:v10+s22+$0x0] =	vst.idx.add.f32.msk $0xffff, v11  }
0x1ca: {  	v11 =	vld.idx.msk [tilespmem:v3+s18+$0x0], $0xffff  }
0x1cb: {  	v7 =	vld.idx.msk [tilespmem:v4+s18+$0x0], $0xffff  }
0x1cc: {  	[tilespmem:v14+s22+$0x0] =	vst.idx.add.f32.msk $0xffff, v2  }
0x1cd: {  	[tilespmem:v9+s23+$0x0] =	vst.idx.add.f32.msk $0xffff, v5  }
0x1ce: {  	v2 =	vld.idx.msk [tilespmem:v6+s18+$0x0], $0xffff  }
0x1cf: {  	v5 =	vld.idx.msk [tilespmem:v8+s19+$0x0], $0xffff  }
0x1d0: {  	[tilespmem:v1+s23+$0x0] =	vst.idx.add.f32.msk $0xffff, v11  }
0x1d1: {  	[tilespmem:v10+s23+$0x0] =	vst.idx.add.f32.msk $0xffff, v7  }
0x1d2: {  	v4 =	vld.idx.msk [tilespmem:v4+s19+$0x0], $0xffff  }
0x1d3: {  	[tilespmem:v14+s23+$0x0] =	vst.idx.add.f32.msk $0xffff, v2  }
0x1d4: {  	[tilespmem:v9+s24+$0x0] =	vst.idx.add.f32.msk $0xffff, v5  }
0x1d5: {  	v2 =	vld.idx.msk [tilespmem:v6+s19+$0x0], $0xffff  }
0x1d6: {  	v9 =	vld [tilespmem:s28+$0x40]  }
0x1d7: {  	[tilespmem:v10+s24+$0x0] =	vst.idx.add.f32.msk $0xffff, v4  }
0x1d8: {  	v6 =	vld [tilespmem:s28+$0xFFFFFFC0]  }
0x1d9: {  	v8 =	vld.idx.msk [tilespmem:v3+s19+$0x0], $0xffff  }
0x1da: {  	v10 =	vld [tilespmem:s29+$0x40]  }
0x1db: {  	[tilespmem:v14+s24+$0x0] =	vst.idx.add.f32.msk $0xffff, v2  }
0x1dc: {  	v7 =	vld [tilespmem:s30+$0xFFFFFFF0]  }
0x1dd: {  	v5 =	vld [tilespmem:s29+$0xFFFFFFC0]  }
0x1de: {  	v12 =	vld.idx.msk [tilespmem:v9+s15+$0x0], $0xffff  }
0x1df: {  	v2 =	vld [tilespmem:s1+$0xFFFFFFF0]  }
0x1e0: {  	s31 =	simm.s32 $0x4;
	s0 =	simm.s32 $0x380;
	s30 =	simm.s32 $0x2A80;
	v11 =	vld.idx.msk [tilespmem:v6+s15+$0x0], $0xffff  }
.LBB2_5:
0x1e1: {  	v13 =	vld [tilespmem:s0+$0x0];
	v3 =	vmov v7  }
0x1e2: {  	v7 =	vld [tilespmem:s0+$0xFFFFFF80]  }
0x1e3: {  	[tilespmem:v10+s21+$0x0] =	vst.idx.add.f32.msk $0xffff, v12  }
0x1e4: {  	v4 =	vmov v8;
	v12 =	vld.idx.msk [tilespmem:v9+s17+$0x0], $0xffff  }
0x1e5: {  	s31 =	sadd.s32 $0x2, s31;
	[tilespmem:v5+s21+$0x0] =	vst.idx.add.f32.msk $0xffff, v11  }
0x1e6: {  	s29 =	sadd.s32 $0x100, s29;
	p0 =	slt.u32 s31, $0x4E;
	v8 =	vld.idx.msk [tilespmem:v6+s17+$0x0], $0xffff  }
0x1e7: {  	v11 =	vld [tilespmem:s29+$0x0]  }
0x1e8: {  	v14 =	vld [tilespmem:s29+$0xFFFFFF80]  }
0x1e9: {  	v15 =	vld.idx.msk [tilespmem:v13+s15+$0x0], $0xffff  }
0x1ea: {  	[tilespmem:v10+s22+$0x0] =	vst.idx.add.f32.msk $0xffff, v12  }
0x1eb: {  	v12 =	vld.idx.msk [tilespmem:v9+s18+$0x0], $0xffff  }
0x1ec: {  	v16 =	vld.idx.msk [tilespmem:v7+s15+$0x0], $0xffff  }
0x1ed: {  	[tilespmem:v5+s22+$0x0] =	vst.idx.add.f32.msk $0xffff, v8  }
0x1ee: {  	v8 =	vld.idx.msk [tilespmem:v6+s18+$0x0], $0xffff  }
0x1ef: {  	[tilespmem:v11+s21+$0x0] =	vst.idx.add.f32.msk $0xffff, v15  }
0x1f0: {  	v15 =	vld.idx.msk [tilespmem:v13+s17+$0x0], $0xffff  }
0x1f1: {  	[tilespmem:v10+s23+$0x0] =	vst.idx.add.f32.msk $0xffff, v12  }
0x1f2: {  	v9 =	vld.idx.msk [tilespmem:v9+s19+$0x0], $0xffff  }
0x1f3: {  	[tilespmem:v14+s21+$0x0] =	vst.idx.add.f32.msk $0xffff, v16  }
0x1f4: {  	v12 =	vld.idx.msk [tilespmem:v7+s17+$0x0], $0xffff  }
0x1f5: {  	[tilespmem:v5+s23+$0x0] =	vst.idx.add.f32.msk $0xffff, v8  }
0x1f6: {  	[tilespmem:v11+s22+$0x0] =	vst.idx.add.f32.msk $0xffff, v15  }
0x1f7: {  	v8 =	vld.idx.msk [tilespmem:v13+s18+$0x0], $0xffff  }
0x1f8: {  	[tilespmem:v10+s24+$0x0] =	vst.idx.add.f32.msk $0xffff, v9  }
0x1f9: {  	v9 =	vld [tilespmem:s28+$0x50]  }
0x1fa: {  	[tilespmem:v14+s22+$0x0] =	vst.idx.add.f32.msk $0xffff, v12  }
0x1fb: {  	v10 =	vld.idx.msk [tilespmem:v7+s18+$0x0], $0xffff  }
0x1fc: {  	v6 =	vld.idx.msk [tilespmem:v6+s19+$0x0], $0xffff  }
0x1fd: {  	[tilespmem:v11+s23+$0x0] =	vst.idx.add.f32.msk $0xffff, v8  }
0x1fe: {  	v8 =	vld.idx.msk [tilespmem:v13+s19+$0x0], $0xffff  }
0x1ff: {  	v12 =	vld [tilespmem:s30+$0x50]  }
0x200: {  	v13 =	vld.idx.msk [tilespmem:v2+s15+$0x0], $0xffff  }
0x201: {  	v15 =	vld.idx.msk [tilespmem:v9+s15+$0x0], $0xffff  }
0x202: {  	[tilespmem:v14+s23+$0x0] =	vst.idx.add.f32.msk $0xffff, v10  }
0x203: {  	v7 =	vld.idx.msk [tilespmem:v7+s19+$0x0], $0xffff  }
0x204: {  	[tilespmem:v11+s24+$0x0] =	vst.idx.add.f32.msk $0xffff, v8  }
0x205: {  	v8 =	vld [tilespmem:s0+$0x10]  }
0x206: {  	[tilespmem:v5+s24+$0x0] =	vst.idx.add.f32.msk $0xffff, v6  }
0x207: {  	[tilespmem:v12+s21+$0x0] =	vst.idx.add.f32.msk $0xffff, v15  }
0x208: {  	v5 =	vld.idx.msk [tilespmem:v9+s17+$0x0], $0xffff  }
0x209: {  	[tilespmem:v14+s24+$0x0] =	vst.idx.add.f32.msk $0xffff, v7  }
0x20a: {  	v6 =	vld [tilespmem:s0+$0xFFFFFF90]  }
0x20b: {  	v7 =	vld [tilespmem:s29+$0x10]  }
0x20c: {  	v10 =	vld [tilespmem:s29+$0xFFFFFF90]  }
0x20d: {  	v11 =	vld.idx.msk [tilespmem:v8+s15+$0x0], $0xffff  }
0x20e: {  	[tilespmem:v12+s22+$0x0] =	vst.idx.add.f32.msk $0xffff, v5  }
0x20f: {  	v5 =	vld.idx.msk [tilespmem:v9+s18+$0x0], $0xffff  }
0x210: {  	v14 =	vld [tilespmem:s28+$0xFFFFFFD0]  }
0x211: {  	v15 =	vld [tilespmem:s30+$0xFFFFFFD0]  }
0x212: {  	v16 =	vld.idx.msk [tilespmem:v6+s15+$0x0], $0xffff  }
0x213: {  	[tilespmem:v7+s21+$0x0] =	vst.idx.add.f32.msk $0xffff, v11  }
0x214: {  	v11 =	vld.idx.msk [tilespmem:v8+s17+$0x0], $0xffff  }
0x215: {  	[tilespmem:v12+s23+$0x0] =	vst.idx.add.f32.msk $0xffff, v5  }
0x216: {  	v5 =	vld.idx.msk [tilespmem:v9+s19+$0x0], $0xffff  }
0x217: {  	[tilespmem:v3+s21+$0x0] =	vst.idx.add.f32.msk $0xffff, v13  }
0x218: {  	[tilespmem:v10+s21+$0x0] =	vst.idx.add.f32.msk $0xffff, v16  }
0x219: {  	v9 =	vld.idx.msk [tilespmem:v6+s17+$0x0], $0xffff  }
0x21a: {  	[tilespmem:v7+s22+$0x0] =	vst.idx.add.f32.msk $0xffff, v11  }
0x21b: {  	v11 =	vld.idx.msk [tilespmem:v8+s18+$0x0], $0xffff  }
0x21c: {  	[tilespmem:v12+s24+$0x0] =	vst.idx.add.f32.msk $0xffff, v5  }
0x21d: {  	v5 =	vld [tilespmem:s28+$0x60]  }
0x21e: {  	v12 =	vld.idx.msk [tilespmem:v14+s15+$0x0], $0xffff  }
0x21f: {  	[tilespmem:v10+s22+$0x0] =	vst.idx.add.f32.msk $0xffff, v9  }
0x220: {  	v9 =	vld.idx.msk [tilespmem:v6+s18+$0x0], $0xffff  }
0x221: {  	[tilespmem:v7+s23+$0x0] =	vst.idx.add.f32.msk $0xffff, v11  }
0x222: {  	v8 =	vld.idx.msk [tilespmem:v8+s19+$0x0], $0xffff  }
0x223: {  	v11 =	vld [tilespmem:s30+$0x60]  }
0x224: {  	[tilespmem:v15+s21+$0x0] =	vst.idx.add.f32.msk $0xffff, v12  }
0x225: {  	v12 =	vld.idx.msk [tilespmem:v5+s15+$0x0], $0xffff  }
0x226: {  	[tilespmem:v10+s23+$0x0] =	vst.idx.add.f32.msk $0xffff, v9  }
0x227: {  	v6 =	vld.idx.msk [tilespmem:v6+s19+$0x0], $0xffff  }
0x228: {  	[tilespmem:v7+s24+$0x0] =	vst.idx.add.f32.msk $0xffff, v8  }
0x229: {  	v7 =	vld [tilespmem:s0+$0x20]  }
0x22a: {  	v8 =	vld.idx.msk [tilespmem:v14+s17+$0x0], $0xffff  }
0x22b: {  	[tilespmem:v11+s21+$0x0] =	vst.idx.add.f32.msk $0xffff, v12  }
0x22c: {  	v9 =	vld.idx.msk [tilespmem:v5+s17+$0x0], $0xffff  }
0x22d: {  	[tilespmem:v10+s24+$0x0] =	vst.idx.add.f32.msk $0xffff, v6  }
0x22e: {  	v6 =	vld [tilespmem:s0+$0xFFFFFFA0]  }
0x22f: {  	v10 =	vld [tilespmem:s29+$0x20]  }
0x230: {  	v12 =	vld [tilespmem:s29+$0xFFFFFFA0]  }
0x231: {  	v13 =	vld.idx.msk [tilespmem:v7+s15+$0x0], $0xffff  }
0x232: {  	[tilespmem:v11+s22+$0x0] =	vst.idx.add.f32.msk $0xffff, v9  }
0x233: {  	v9 =	vld.idx.msk [tilespmem:v5+s18+$0x0], $0xffff  }
0x234: {  	[tilespmem:v15+s22+$0x0] =	vst.idx.add.f32.msk $0xffff, v8  }
0x235: {  	v8 =	vld.idx.msk [tilespmem:v14+s18+$0x0], $0xffff  }
0x236: {  	v16 =	vld.idx.msk [tilespmem:v6+s15+$0x0], $0xffff  }
0x237: {  	[tilespmem:v10+s21+$0x0] =	vst.idx.add.f32.msk $0xffff, v13  }
0x238: {  	v13 =	vld.idx.msk [tilespmem:v7+s17+$0x0], $0xffff  }
0x239: {  	[tilespmem:v11+s23+$0x0] =	vst.idx.add.f32.msk $0xffff, v9  }
0x23a: {  	v5 =	vld.idx.msk [tilespmem:v5+s19+$0x0], $0xffff  }
0x23b: {  	[tilespmem:v15+s23+$0x0] =	vst.idx.add.f32.msk $0xffff, v8  }
0x23c: {  	[tilespmem:v12+s21+$0x0] =	vst.idx.add.f32.msk $0xffff, v16  }
0x23d: {  	v8 =	vld.idx.msk [tilespmem:v6+s17+$0x0], $0xffff  }
0x23e: {  	[tilespmem:v10+s22+$0x0] =	vst.idx.add.f32.msk $0xffff, v13  }
0x23f: {  	v9 =	vld.idx.msk [tilespmem:v7+s18+$0x0], $0xffff  }
0x240: {  	[tilespmem:v11+s24+$0x0] =	vst.idx.add.f32.msk $0xffff, v5  }
0x241: {  	v5 =	vld [tilespmem:s28+$0x70]  }
0x242: {  	v11 =	vld.idx.msk [tilespmem:v14+s19+$0x0], $0xffff  }
0x243: {  	[tilespmem:v12+s22+$0x0] =	vst.idx.add.f32.msk $0xffff, v8  }
0x244: {  	v8 =	vld.idx.msk [tilespmem:v6+s18+$0x0], $0xffff  }
0x245: {  	v13 =	vld.idx.msk [tilespmem:v2+s17+$0x0], $0xffff  }
0x246: {  	[tilespmem:v10+s23+$0x0] =	vst.idx.add.f32.msk $0xffff, v9  }
0x247: {  	v9 =	vld [tilespmem:s30+$0x70]  }
0x248: {  	v7 =	vld.idx.msk [tilespmem:v7+s19+$0x0], $0xffff  }
0x249: {  	v14 =	vld.idx.msk [tilespmem:v5+s15+$0x0], $0xffff  }
0x24a: {  	[tilespmem:v12+s23+$0x0] =	vst.idx.add.f32.msk $0xffff, v8  }
0x24b: {  	v6 =	vld.idx.msk [tilespmem:v6+s19+$0x0], $0xffff  }
0x24c: {  	[tilespmem:v15+s24+$0x0] =	vst.idx.add.f32.msk $0xffff, v11  }
0x24d: {  	v8 =	vld [tilespmem:s28+$0xFFFFFFE0]  }
0x24e: {  	[tilespmem:v10+s24+$0x0] =	vst.idx.add.f32.msk $0xffff, v7  }
0x24f: {  	[tilespmem:v9+s21+$0x0] =	vst.idx.add.f32.msk $0xffff, v14  }
0x250: {  	v7 =	vld.idx.msk [tilespmem:v5+s17+$0x0], $0xffff  }
0x251: {  	v10 =	vld [tilespmem:s0+$0x30]  }
0x252: {  	[tilespmem:v12+s24+$0x0] =	vst.idx.add.f32.msk $0xffff, v6  }
0x253: {  	v6 =	vld [tilespmem:s0+$0xFFFFFFB0]  }
0x254: {  	v11 =	vld [tilespmem:s29+$0xFFFFFFB0]  }
0x255: {  	v12 =	vld [tilespmem:s29+$0x30]  }
0x256: {  	[tilespmem:v9+s22+$0x0] =	vst.idx.add.f32.msk $0xffff, v7  }
0x257: {  	v7 =	vld.idx.msk [tilespmem:v5+s18+$0x0], $0xffff  }
0x258: {  	v14 =	vld.idx.msk [tilespmem:v8+s15+$0x0], $0xffff  }
0x259: {  	v15 =	vld.idx.msk [tilespmem:v10+s15+$0x0], $0xffff  }
0x25a: {  	v16 =	vld [tilespmem:s30+$0xFFFFFFE0]  }
0x25b: {  	v17 =	vld.idx.msk [tilespmem:v6+s15+$0x0], $0xffff  }
0x25c: {  	[tilespmem:v3+s22+$0x0] =	vst.idx.add.f32.msk $0xffff, v13  }
0x25d: {  	[tilespmem:v9+s23+$0x0] =	vst.idx.add.f32.msk $0xffff, v7  }
0x25e: {  	v5 =	vld.idx.msk [tilespmem:v5+s19+$0x0], $0xffff  }
0x25f: {  	[tilespmem:v12+s21+$0x0] =	vst.idx.add.f32.msk $0xffff, v15  }
0x260: {  	v7 =	vld.idx.msk [tilespmem:v10+s17+$0x0], $0xffff  }
0x261: {  	[tilespmem:v11+s21+$0x0] =	vst.idx.add.f32.msk $0xffff, v17  }
0x262: {  	v13 =	vld.idx.msk [tilespmem:v6+s17+$0x0], $0xffff  }
0x263: {  	[tilespmem:v16+s21+$0x0] =	vst.idx.add.f32.msk $0xffff, v14  }
0x264: {  	[tilespmem:v9+s24+$0x0] =	vst.idx.add.f32.msk $0xffff, v5  }
0x265: {  	v5 =	vld.idx.msk [tilespmem:v8+s17+$0x0], $0xffff  }
0x266: {  	[tilespmem:v12+s22+$0x0] =	vst.idx.add.f32.msk $0xffff, v7  }
0x267: {  	v7 =	vld.idx.msk [tilespmem:v10+s18+$0x0], $0xffff  }
0x268: {  	[tilespmem:v11+s22+$0x0] =	vst.idx.add.f32.msk $0xffff, v13  }
0x269: {  	v9 =	vld.idx.msk [tilespmem:v6+s18+$0x0], $0xffff  }
0x26a: {  	v13 =	vld.idx.msk [tilespmem:v2+s18+$0x0], $0xffff  }
0x26b: {  	[tilespmem:v16+s22+$0x0] =	vst.idx.add.f32.msk $0xffff, v5  }
0x26c: {  	v5 =	vld.idx.msk [tilespmem:v8+s18+$0x0], $0xffff  }
0x26d: {  	[tilespmem:v12+s23+$0x0] =	vst.idx.add.f32.msk $0xffff, v7  }
0x26e: {  	v7 =	vld.idx.msk [tilespmem:v10+s19+$0x0], $0xffff  }
0x26f: {  	[tilespmem:v11+s23+$0x0] =	vst.idx.add.f32.msk $0xffff, v9  }
0x270: {  	v6 =	vld.idx.msk [tilespmem:v6+s19+$0x0], $0xffff  }
0x271: {  	[tilespmem:v3+s23+$0x0] =	vst.idx.add.f32.msk $0xffff, v13  }
0x272: {  	[tilespmem:v16+s23+$0x0] =	vst.idx.add.f32.msk $0xffff, v5  }
0x273: {  	v8 =	vld.idx.msk [tilespmem:v8+s19+$0x0], $0xffff  }
0x274: {  	[tilespmem:v12+s24+$0x0] =	vst.idx.add.f32.msk $0xffff, v7  }
0x275: {  	v9 =	vld [tilespmem:s0+$0x40]  }
0x276: {  	[tilespmem:v11+s24+$0x0] =	vst.idx.add.f32.msk $0xffff, v6  }
0x277: {  	v6 =	vld [tilespmem:s0+$0xFFFFFFC0]  }
0x278: {  	v5 =	vld [tilespmem:s29+$0xFFFFFFC0]  }
0x279: {  	[tilespmem:v16+s24+$0x0] =	vst.idx.add.f32.msk $0xffff, v8  }
0x27a: {  	v13 =	vld [tilespmem:s28+$0xFFFFFFF0];
	s28 =	smov.u32 s0  }
0x27b: {  	v10 =	vld [tilespmem:s29+$0x40]  }
.Ltmp1:
0x27c: {  	v7 =	vld [tilespmem:s30+$0xFFFFFFF0];
	s30 =	smov.u32 s29;
	(pc) =	sbr.rel @p0 .LBB2_5-.Ltmp1, $4  }
0x27d: {  	v12 =	vld.idx.msk [tilespmem:v9+s15+$0x0], $0xffff  }
0x27e: {  	v8 =	vld.idx.msk [tilespmem:v2+s19+$0x0], $0xffff  }
0x27f: {  	v11 =	vld.idx.msk [tilespmem:v6+s15+$0x0], $0xffff;
	v2 =	vmov v13  }
0x280: {  	s0 =	sadd.s32 $0x100, s0;
	[tilespmem:v1+s24+$0x0] =	vst.idx.add.f32.msk $0xffff, v4;
	v1 =	vmov v3  }
0x281: {  	_ =	sdelay $0x3  }
0x282: {  	[tilespmem:v10+s21+$0x0] =	vst.idx.add.f32.msk $0xffff, v12  }
0x283: {  	v3 =	vld.idx.msk [tilespmem:v9+s17+$0x0], $0xffff  }
0x284: {  	[tilespmem:v5+s21+$0x0] =	vst.idx.add.f32.msk $0xffff, v11  }
0x285: {  	v4 =	vld.idx.msk [tilespmem:v6+s17+$0x0], $0xffff;
	_ =	sdelay $0x2  }
0x286: {  	[tilespmem:v10+s22+$0x0] =	vst.idx.add.f32.msk $0xffff, v3  }
0x287: {  	v3 =	vld.idx.msk [tilespmem:v9+s18+$0x0], $0xffff  }
0x288: {  	[tilespmem:v5+s22+$0x0] =	vst.idx.add.f32.msk $0xffff, v4  }
0x289: {  	v4 =	vld.idx.msk [tilespmem:v6+s18+$0x0], $0xffff;
	_ =	sdelay $0x2  }
0x28a: {  	[tilespmem:v10+s23+$0x0] =	vst.idx.add.f32.msk $0xffff, v3  }
0x28b: {  	v3 =	vld.idx.msk [tilespmem:v9+s19+$0x0], $0xffff  }
0x28c: {  	[tilespmem:v5+s23+$0x0] =	vst.idx.add.f32.msk $0xffff, v4  }
0x28d: {  	v4 =	vld.idx.msk [tilespmem:v6+s19+$0x0], $0xffff;
	_ =	sdelay $0x2  }
0x28e: {  	[tilespmem:v10+s24+$0x0] =	vst.idx.add.f32.msk $0xffff, v3  }
0x28f: {  	v3 =	vld [tilespmem:s28+$0x50]  }
0x290: {  	[tilespmem:v5+s24+$0x0] =	vst.idx.add.f32.msk $0xffff, v4  }
0x291: {  	v4 =	vld [tilespmem:s28+$0xFFFFFFD0];
	_ =	sdelay $0x2  }
0x292: {  	v59 =	vld [tilespmem:s30+$0x50];
	_ =	sdelay $0x1  }
0x293: {  	v61 =	vld [tilespmem:s30+$0xFFFFFFD0]  }
0x294: {  	v60 =	vld.idx.msk [tilespmem:v3+s15+$0x0], $0xffff;
	_ =	sdelay $0x1  }
0x295: {  	v62 =	vld.idx.msk [tilespmem:v4+s15+$0x0], $0xffff;
	_ =	sdelay $0x2  }
0x296: {  	[tilespmem:v59+s21+$0x0] =	vst.idx.add.f32.msk $0xffff, v60  }
0x297: {  	v6 =	vld.idx.msk [tilespmem:v3+s17+$0x0], $0xffff  }
0x298: {  	[tilespmem:v61+s21+$0x0] =	vst.idx.add.f32.msk $0xffff, v62  }
0x299: {  	v10 =	vld.idx.msk [tilespmem:v4+s17+$0x0], $0xffff;
	_ =	sdelay $0x2  }
0x29a: {  	[tilespmem:v59+s22+$0x0] =	vst.idx.add.f32.msk $0xffff, v6  }
0x29b: {  	v6 =	vld.idx.msk [tilespmem:v3+s18+$0x0], $0xffff  }
0x29c: {  	[tilespmem:v61+s22+$0x0] =	vst.idx.add.f32.msk $0xffff, v10  }
0x29d: {  	v10 =	vld.idx.msk [tilespmem:v4+s18+$0x0], $0xffff;
	_ =	sdelay $0x2  }
0x29e: {  	[tilespmem:v59+s23+$0x0] =	vst.idx.add.f32.msk $0xffff, v6  }
0x29f: {  	v3 =	vld.idx.msk [tilespmem:v3+s19+$0x0], $0xffff  }
0x2a0: {  	[tilespmem:v61+s23+$0x0] =	vst.idx.add.f32.msk $0xffff, v10  }
0x2a1: {  	v4 =	vld.idx.msk [tilespmem:v4+s19+$0x0], $0xffff;
	_ =	sdelay $0x2  }
0x2a2: {  	[tilespmem:v59+s24+$0x0] =	vst.idx.add.f32.msk $0xffff, v3  }
0x2a3: {  	v3 =	vld [tilespmem:s28+$0x60]  }
0x2a4: {  	[tilespmem:v61+s24+$0x0] =	vst.idx.add.f32.msk $0xffff, v4  }
0x2a5: {  	v4 =	vld [tilespmem:s28+$0xFFFFFFE0];
	_ =	sdelay $0x2  }
0x2a6: {  	v5 =	vld [tilespmem:s30+$0x60];
	_ =	sdelay $0x1  }
0x2a7: {  	v9 =	vld [tilespmem:s30+$0xFFFFFFE0]  }
0x2a8: {  	v6 =	vld.idx.msk [tilespmem:v3+s15+$0x0], $0xffff;
	_ =	sdelay $0x1  }
0x2a9: {  	v10 =	vld.idx.msk [tilespmem:v4+s15+$0x0], $0xffff;
	_ =	sdelay $0x2  }
0x2aa: {  	[tilespmem:v5+s21+$0x0] =	vst.idx.add.f32.msk $0xffff, v6  }
0x2ab: {  	v6 =	vld.idx.msk [tilespmem:v3+s17+$0x0], $0xffff  }
0x2ac: {  	[tilespmem:v9+s21+$0x0] =	vst.idx.add.f32.msk $0xffff, v10  }
0x2ad: {  	v10 =	vld.idx.msk [tilespmem:v4+s17+$0x0], $0xffff;
	_ =	sdelay $0x2  }
0x2ae: {  	[tilespmem:v5+s22+$0x0] =	vst.idx.add.f32.msk $0xffff, v6  }
0x2af: {  	v6 =	vld.idx.msk [tilespmem:v3+s18+$0x0], $0xffff  }
0x2b0: {  	[tilespmem:v9+s22+$0x0] =	vst.idx.add.f32.msk $0xffff, v10  }
0x2b1: {  	v10 =	vld.idx.msk [tilespmem:v4+s18+$0x0], $0xffff;
	_ =	sdelay $0x2  }
0x2b2: {  	[tilespmem:v5+s23+$0x0] =	vst.idx.add.f32.msk $0xffff, v6  }
0x2b3: {  	v3 =	vld.idx.msk [tilespmem:v3+s19+$0x0], $0xffff  }
0x2b4: {  	[tilespmem:v9+s23+$0x0] =	vst.idx.add.f32.msk $0xffff, v10  }
0x2b5: {  	v4 =	vld.idx.msk [tilespmem:v4+s19+$0x0], $0xffff;
	_ =	sdelay $0x2  }
0x2b6: {  	[tilespmem:v5+s24+$0x0] =	vst.idx.add.f32.msk $0xffff, v3  }
0x2b7: {  	v3 =	vld [tilespmem:s28+$0x70]  }
0x2b8: {  	[tilespmem:v9+s24+$0x0] =	vst.idx.add.f32.msk $0xffff, v4  }
0x2b9: {  	v4 =	vld [tilespmem:s28+$0xFFFFFFF0];
	_ =	sdelay $0x2  }
0x2ba: {  	v5 =	vld [tilespmem:s30+$0x70]  }
0x2bb: {  	v63 =	vld.idx.msk [tilespmem:v2+s15+$0x0], $0xffff  }
0x2bc: {  	v9 =	vld [tilespmem:s30+$0xFFFFFFF0]  }
0x2bd: {  	v6 =	vld.idx.msk [tilespmem:v3+s15+$0x0], $0xffff;
	_ =	sdelay $0x1  }
0x2be: {  	v11 =	vld.idx.msk [tilespmem:v4+s15+$0x0], $0xffff  }
0x2bf: {  	[tilespmem:v7+s21+$0x0] =	vst.idx.add.f32.msk $0xffff, v63  }
0x2c0: {  	v10 =	vld.idx.msk [tilespmem:v2+s17+$0x0], $0xffff  }
0x2c1: {  	[tilespmem:v5+s21+$0x0] =	vst.idx.add.f32.msk $0xffff, v6  }
0x2c2: {  	v6 =	vld.idx.msk [tilespmem:v3+s17+$0x0], $0xffff  }
0x2c3: {  	[tilespmem:v9+s21+$0x0] =	vst.idx.add.f32.msk $0xffff, v11  }
0x2c4: {  	v11 =	vld.idx.msk [tilespmem:v4+s17+$0x0], $0xffff  }
0x2c5: {  	[tilespmem:v7+s22+$0x0] =	vst.idx.add.f32.msk $0xffff, v10  }
0x2c6: {  	v10 =	vld.idx.msk [tilespmem:v2+s18+$0x0], $0xffff  }
0x2c7: {  	[tilespmem:v5+s22+$0x0] =	vst.idx.add.f32.msk $0xffff, v6  }
0x2c8: {  	v6 =	vld.idx.msk [tilespmem:v3+s18+$0x0], $0xffff  }
0x2c9: {  	[tilespmem:v9+s22+$0x0] =	vst.idx.add.f32.msk $0xffff, v11  }
0x2ca: {  	v11 =	vld.idx.msk [tilespmem:v4+s18+$0x0], $0xffff  }
0x2cb: {  	[tilespmem:v7+s23+$0x0] =	vst.idx.add.f32.msk $0xffff, v10  }
0x2cc: {  	v2 =	vld.idx.msk [tilespmem:v2+s19+$0x0], $0xffff  }
0x2cd: {  	[tilespmem:v5+s23+$0x0] =	vst.idx.add.f32.msk $0xffff, v6  }
0x2ce: {  	v3 =	vld.idx.msk [tilespmem:v3+s19+$0x0], $0xffff  }
0x2cf: {  	s26 =	sadd.s32 $0x1, s26;
	[tilespmem:v9+s23+$0x0] =	vst.idx.add.f32.msk $0xffff, v11  }
0x2d0: {  	p0 =	sne.s32 s26, $0x4;
	v4 =	vld.idx.msk [tilespmem:v4+s19+$0x0], $0xffff  }
.Ltmp2:
0x2d1: {  	_ = 	snop;
	(pc) =	sbr.rel @p0 .LBB2_4-.Ltmp2, $4  }
0x2d2: {  	[tilespmem:v1+s24+$0x0] =	vst.idx.add.f32.msk $0xffff, v8  }
0x2d3: {  	[tilespmem:v7+s24+$0x0] =	vst.idx.add.f32.msk $0xffff, v2  }
0x2d4: {  	[tilespmem:v5+s24+$0x0] =	vst.idx.add.f32.msk $0xffff, v3  }
0x2d5: {  	[tilespmem:v9+s24+$0x0] =	vst.idx.add.f32.msk $0xffff, v4  }
0x2d6: {  	[hbm4b:s10+s2] =	stream.linear.scatter [tilespmem:s21], [sflag:$0x1], $0x2800, $0x38;
	[tilespmem:$0x19000] =	vst v63  }
0x2d7: {  	_ =	swait.ge [sflag:s16], $0x2800  }
0x2d8: {  	[sflag:s16] =	ssyncset.done $0x0  }
0x2d9: {  	[sflag:s16] =	ssyncadd.s32 $0xFFFFD800  }
0x2da: {  	[hbm4b:s11+s2] =	stream.linear.scatter [tilespmem:s22], [sflag:$0x1], $0x2800, $0x38;
	[tilespmem:$0x19000] =	vst v63  }
0x2db: {  	_ =	swait.ge [sflag:s16], $0x2800  }
0x2dc: {  	[sflag:s16] =	ssyncset.done $0x0  }
0x2dd: {  	[sflag:s16] =	ssyncadd.s32 $0xFFFFD800  }
0x2de: {  	[hbm4b:s12+s2] =	stream.linear.scatter [tilespmem:s23], [sflag:$0x1], $0x2800, $0x38;
	[tilespmem:$0x19000] =	vst v63  }
0x2df: {  	s25 =	sadd.s32 $0x1, s25;
	_ =	swait.ge [sflag:s16], $0x2800  }
0x2e0: {  	p0 =	sne.s32 s25, s14;
	[sflag:s16] =	ssyncset.done $0x0  }
.Ltmp3:
0x2e1: {  	[sflag:s16] =	ssyncadd.s32 $0xFFFFD800;
	(pc) =	sbr.rel @p0 .LBB2_1-.Ltmp3, $4  }
0x2e2: {  	[hbm4b:s13+s2] =	stream.linear.scatter [tilespmem:s24], [sflag:$0x1], $0x2800, $0x38;
	[tilespmem:$0x19000] =	vst v63  }
0x2e3: {  	_ =	swait.ge [sflag:s16], $0x2800  }
0x2e4: {  	[sflag:s16] =	ssyncset.done $0x0  }
0x2e5: {  	[sflag:s16] =	ssyncadd.s32 $0xFFFFD800  }
0x2e6: {  	_ =	sfence.sel $0x180000  }
0x2e7: {  	[bflag:$0x0] =	sbarrier.arrive $0xFFFF  }
0x2e8: {  	_ =	strace $0x9000004A  }
0x2e9: {  	s0 =	stileid.u32;
	[bflag:$0x2] =	sbarrier.arrive $0xFFFF  }
0x2ea: {  	p0 =	sne.s32 s0, $0x0;
	s0 =	rddreg [dreg:$0x2]  }
0x2eb: {  	s0 =	sadd.s32 @!p0 $0x100000, s0  }
0x2ec: {  	[sflag:s0] =	ssyncadd.tile.s32 @!p0 $0x1;
	_ =	shalt  }
.Lfunc_end2:
_tile_overlayer_lowered:
.L_overlay_start_2:
0x2ed: {  	(tag) =	ssettag $0x2  }
0x2ee: {  	s0 =	rddreg [dreg:$0x0];
	s2 =	stileid.u32  }
0x2ef: {  	s1 =	rddreg [dreg:$0x1];
	p0 =	sne.s32 s2, $0x0  }
0x2f0: {  	s3 =	rddreg [dreg:$0x2];
	[bflag:$0x3] =	sbarrier.arrive $0xFFFF;
	s2 =	simm.s32 @!p0 $0x1C01  }
0x2f1: {  	[timem:s3], [sflag:s2] =	dma.local @!p0 [hbm:s0], s1  }
0x2f2: {  	s0 =	simm.s32 @!p0 $0x1  }
0x2f3: {  	_ =	swait.ge @!p0 [sflag:s0], s1  }
0x2f4: {  	s1 =	ssub.s32 @!p0 $0x0, s1;
	[sflag:s0] =	ssyncset.done @!p0 $0x0  }
0x2f5: {  	[sflag:s0] =	ssyncadd.s32 @!p0 s1  }
0x2f6: {  	[bflag:$0x3] =	sbarrier.arrive $0xFFFF  }
0x2f7: {  	_ =	shalt  }

// kernel: kernel.8.cloned.1.call-start
scs
__scs_entry_jumppad:
0x0: {  	(pc) =	sbr.rel $0x88, $3  }
0x1: {  	(tag) =	ssettag $0x0;
	lr =	simm.s32 $0x1  }
0x2: {  	[smem:$0x3F9D] =	sst lr;
	_ =	strace $0xD0000000  }
0x3: {  	_ = 	snop  }
0x4: {  	_ = 	snop  }
0x5: {  	_ = 	snop  }
0x6: {  	_ = 	snop  }
0x7: {  	_ = 	snop  }
__scs_overlays_trampoline_lowered:
0x8: {  	[smem:$0x3FAC] =	sst s0  }
0x9: {  	[smem:$0x3FAD] =	sst s1  }
0xa: {  	[smem:$0x3FAE] =	sst s2  }
0xb: {  	[smem:$0x3FAF] =	sst s3  }
0xc: {  	[smem:$0x3FB0] =	sst s4  }
0xd: {  	[smem:$0x3FB1] =	sst s5  }
0xe: {  	[smem:$0x3FB2] =	sst s6  }
0xf: {  	[smem:$0x3FB3] =	sst s7  }
0x10: {  	[smem:$0x3FB4] =	sst s8  }
0x11: {  	[smem:$0x3FB5] =	sst s9;
	s0 =	simm.s32 @!p0 $0x0  }
0x12: {  	s1 =	sld [smem:$0x3F9B];
	s0 =	simm.s32 @p0 $0x1  }
0x13: {  	[smem:$0x3FB6] =	sst s0;
	s0 =	simm.s32 @!p1 $0x0  }
0x14: {  	s2 =	sld [smem:$0x3F9A];
	s0 =	simm.s32 @p1 $0x1  }
0x15: {  	[smem:$0x3FB7] =	sst s0;
	s0 =	simm.s32 @!p2 $0x0  }
0x16: {  	s3 =	sld [smem:$0x3FDB];
	s0 =	simm.s32 @p2 $0x1  }
0x17: {  	s4 =	simm.s32 $0x1BF5;
	[smem:$0x3FB9] =	sst s0  }
0x18: {  	s0 =	sld [smem:$0x3F9C];
	_ =	swait.ge [sflag:s4], $0x0  }
0x19: {  	s7 =	sld [smem:$0x3F9D]  }
0x1a: {  	s8 =	sadd.s32 $0xFFFFE003, lr  }
0x1b: {  	s9 =	sadd.s32 $0xFFFFFEF7, lr;
	s5 =	simm.s32 $0xFFFFFFFF;
	p2 =	slt.u32 s8, $0xFFFFF086  }
0x1c: {  	p1 =	slt.u32 s9, $0xF7A;
	s5 =	simm.s32 @!p2 $0x0  }
0x1d: {  	s5 =	simm.s32 @p1 $0x1;
	p0 =	seq.s32 s7, s2  }
0x1e: {  	s7 =	smul.u32 @!p0 $0xF7A, s2;
	p2 =	seq.s32 @!p0 s5, $0x0  }
0x1f: {  	s9 =	smul.u32 $0xF7A, s1;
	s8 =	simm.s32 @!p0 $0x1BF5;
	p2 =	por !p2, p0  }
0x20: {  	[sflag:s8] =	ssyncset.s32 @!p0 $0xFFFFF086;
	s6 =	sadd.s32 @!p0 s3, s7;
	s7 =	simm.s32 @!p0 $0x108  }
0x21: {  	s3 =	sadd.s32 s3, s9;
	s6 =	sadd.s32 @!p0 $0x88, s6;
	s7 =	simm.s32 @p2 $0x1082  }
0x22: {  	[simem:s7], [sflag:s8] =	dma.local @!p0 [hbm:s6], $0xF7A  }
0x23: {  	s9 =	sor.u32 $0xD0000000, s2;
	s6 =	simm.s32 $0x108;
	_ =	swait.ge @!p0 [sflag:s8], $0x0  }
0x24: {  	s3 =	sadd.s32 $0x88, s3;
	s6 =	simm.s32 @!p1 $0x1082;
	[sflag:s4] =	ssyncset.s32 $0xFFFFF086  }
0x25: {  	[simem:s6], [sflag:s4] =	dma.local [hbm:s3], $0xF7A  }
0x26: {  	[smem:$0x3F9D] =	sst s1;
	(tag) =	ssettag s2;
	_ =	strace s9  }
0x27: {  	s1 =	sld [smem:$0x3FAD]  }
0x28: {  	s2 =	sld [smem:$0x3FAE]  }
0x29: {  	s4 =	sld [smem:$0x3FB0]  }
0x2a: {  	p0 =	seq.s32 s5, $0x0;
	s5 =	sld [smem:$0x3FB1]  }
0x2b: {  	s6 =	sld [smem:$0x3FB2]  }
0x2c: {  	s7 =	sld [smem:$0x3FB3]  }
0x2d: {  	s3 =	simm.s32 $0x108;
	s8 =	sld [smem:$0x3FB4]  }
0x2e: {  	s3 =	simm.s32 @!p0 $0x1082;
	s9 =	sld [smem:$0x3FB5]  }
0x2f: {  	lr =	sadd.s32 s0, s3;
	s0 =	sld [smem:$0x3FAC]  }
0x30: {  	s3 =	sld [smem:$0x3FAF]  }
0x31: {  	[smem:$0x3FB8] =	sst s10  }
0x32: {  	s10 =	sld [smem:$0x3FB6];
	_ =	sdelay $0x3  }
0x33: {  	p0 =	seq.s32 s10, $0x1;
	s10 =	sld [smem:$0x3FB8];
	_ =	sdelay $0x3  }
0x34: {  	[smem:$0x3FB8] =	sst s10  }
0x35: {  	s10 =	sld [smem:$0x3FB7];
	_ =	sdelay $0x3  }
0x36: {  	p1 =	seq.s32 s10, $0x1;
	s10 =	sld [smem:$0x3FB8];
	_ =	sdelay $0x3  }
0x37: {  	[smem:$0x3FB8] =	sst s10  }
0x38: {  	s10 =	sld [smem:$0x3FB9]  }
0x39: {  	_ = 	snop;
	(pc) =	sbr.ind lr, $3  }
0x3a: {  	_ = 	snop  }
0x3b: {  	_ = 	snop  }
0x3c: {  	p2 =	seq.s32 s10, $0x1;
	s10 =	sld [smem:$0x3FB8]  }
0x3d: {  	_ =	shalt  }
0x3e: {  	_ =	shalt  }
0x3f: {  	_ =	shalt  }
0x40: {  	_ =	shalt  }
0x41: {  	_ =	shalt  }
0x42: {  	_ =	shalt  }
0x43: {  	_ =	shalt  }
0x44: {  	_ =	shalt  }
0x45: {  	_ =	shalt  }
0x46: {  	_ =	shalt  }
0x47: {  	_ =	shalt  }
0x48: {  	_ =	shalt  }
0x49: {  	_ =	shalt  }
0x4a: {  	_ =	shalt  }
0x4b: {  	_ =	shalt  }
0x4c: {  	_ =	shalt  }
0x4d: {  	_ =	shalt  }
0x4e: {  	_ =	shalt  }
0x4f: {  	_ =	shalt  }
0x50: {  	_ =	shalt  }
0x51: {  	_ =	shalt  }
0x52: {  	_ =	shalt  }
0x53: {  	_ =	shalt  }
0x54: {  	_ =	shalt  }
0x55: {  	_ =	shalt  }
0x56: {  	_ =	shalt  }
0x57: {  	_ =	shalt  }
0x58: {  	_ =	shalt  }
0x59: {  	_ =	shalt  }
0x5a: {  	_ =	shalt  }
0x5b: {  	_ =	shalt  }
0x5c: {  	_ =	shalt  }
0x5d: {  	_ =	shalt  }
0x5e: {  	_ =	shalt  }
0x5f: {  	_ =	shalt  }
0x60: {  	_ =	shalt  }
0x61: {  	_ =	shalt  }
0x62: {  	_ =	shalt  }
0x63: {  	_ =	shalt  }
0x64: {  	_ =	shalt  }
0x65: {  	_ =	shalt  }
0x66: {  	_ =	shalt  }
0x67: {  	_ =	shalt  }
0x68: {  	_ =	shalt  }
0x69: {  	_ =	shalt  }
0x6a: {  	_ =	shalt  }
0x6b: {  	_ =	shalt  }
0x6c: {  	_ =	shalt  }
0x6d: {  	_ =	shalt  }
0x6e: {  	_ =	shalt  }
0x6f: {  	_ =	shalt  }
0x70: {  	_ =	shalt  }
0x71: {  	_ =	shalt  }
0x72: {  	_ =	shalt  }
0x73: {  	_ =	shalt  }
0x74: {  	_ =	shalt  }
0x75: {  	_ =	shalt  }
0x76: {  	_ =	shalt  }
0x77: {  	_ =	shalt  }
0x78: {  	_ =	shalt  }
0x79: {  	_ =	shalt  }
0x7a: {  	_ =	shalt  }
0x7b: {  	_ =	shalt  }
0x7c: {  	_ =	shalt  }
0x7d: {  	_ =	shalt  }
0x7e: {  	_ =	shalt  }
0x7f: {  	_ =	shalt  }
0x80: {  	_ =	shalt  }
0x81: {  	_ =	shalt  }
0x82: {  	_ =	shalt  }
0x83: {  	_ =	shalt  }
0x84: {  	_ =	shalt  }
0x85: {  	_ =	shalt  }
0x86: {  	_ =	shalt  }
0x87: {  	_ =	shalt  }
.Lfunc_end0:
.L_simem_size_0:
called_computation_lowered:
.L_overlay_start_0:
0x88: {  	s2 =	sld [smem:$0x3FD9]  }
0x89: {  	s3 =	sld [smem:$0x3FFE];
	_ =	sdelay $0x1  }
0x8a: {  	s1 =	srdreg.scid  }
0x8b: {  	s0 =	sand.u32 $0x1, s1  }
0x8c: {  	s14 =	sshll.u32 s0, $0xA;
	s2 =	sadd.s32 s3, s2  }
0x8d: {  	s2 =	sadd.s32 s2, s14  }
0x8e: {  	[smem:$0x3FC4] =	sst s2  }
0x8f: {  	_ = 	snop  }
0x90: {  	s2 =	sld [smem:$0x3FD0];
	_ =	sdelay $0x2  }
0x91: {  	s15 =	simm.s32 $0xA;
	s4 =	simm.s32 $0x10  }
0x92: {  	[smem:s4], [sflag:s15] =	dma.local [hbm:s2], $0x1  }
0x93: {  	_ =	swait.eq [sflag:s15], $0x1  }
0x94: {  	[sflag:s15] =	ssyncset.done $0x0  }
0x95: {  	[sflag:s15] =	ssyncadd.s32 $0xFFFFFFFF  }
0x96: {  	s16 =	sld [smem:$0x10];
	(tm) =	ssettm $0x1  }
0x97: {  	s17 =	sld [smem:$0x3FFB];
	_ =	sdelay $0x3  }
0x98: {  	_ =	strace s17  }
0x99: {  	s3 =	sld [smem:$0x3FFC];
	_ =	sdelay $0x3  }
0x9a: {  	_ =	strace s3  }
0x9b: {  	s3 =	sld [smem:$0x3FFD];
	_ =	sdelay $0x3  }
0x9c: {  	_ =	strace s3  }
0x9d: {  	_ =	strace $0x8FFFFFFF  }
0x9e: {  	s18 =	sld [smem:$0x3FDB];
	_ =	sdelay $0x1  }
0x9f: {  	s19 =	simm.s32 $_scs_section_size  }
0xa0: {  	s5 =	simm.s32 $_size__tile_overlayer_lowered;
	s6 =	simm.s32 $_tile_overlayer_lowered  }
0xa1: {  	s22 =	simm.s32 $0x1BFF;
	s21 =	sshll.u32 s6, $0x1;
	s3 =	sadd.s32 s19, s18  }
0xa2: {  	s7 =	simm.s32 $0x0;
	s20 =	sshll.u32 s5, $0x1;
	s5 =	sadd.s32 s21, s3  }
0xa3: {  	[timem:s7], [sflag:s22] =	dma.local [hbm:s5], s20  }
0xa4: {  	_ =	swait.ge [sflag:s22], s20  }
0xa5: {  	s4 =	ssub.s32 $0x0, s20;
	[sflag:s22] =	ssyncset.done $0x0  }
0xa6: {  	[sflag:s22] =	ssyncadd.s32 s4;
	_ =	sdelay $0x1  }
0xa7: {  	s23 =	simm.s32 $0x1B8B  }
0xa8: {  	_ =	swait.ge [sflag:s23], $0x1  }
0xa9: {  	[sflag:s23] =	ssyncset.done $0x0  }
0xaa: {  	s25 =	simm.s32 $0x1B8E;
	s24 =	sld [smem:$0x3FFE];
	[sflag:s23] =	ssyncadd.s32 $0xFFFFFFFF  }
0xab: {  	s26 =	simm.s32 $execute0_lowered;
	[smem:$0x3FD2] =	sst s25  }
0xac: {  	s5 =	sshll.u32 s26, $0x1;
	_ =	strace $0x80000046;
	[dreg:$0x1] =	wrdreg $0xFFFFFFFF  }
0xad: {  	s28 =	simm.s32 $_size_execute0_lowered;
	s3 =	sadd.s32 s3, s5;
	[dreg:$0x0] =	wrdreg $0x0  }
0xae: {  	s5 =	sshll.u32 s28, $0x1;
	[dreg:$0x2] =	wrdreg s3  }
0xaf: {  	[dreg:$0x3] =	wrdreg s5  }
0xb0: {  	[dreg:$0x4] =	wrdreg $0xC0  }
0xb1: {  	_ =	task [dreg:s7], $0x5FFFF  }
0xb2: {  	[dreg:$0x1] =	wrdreg $0xFFFFFFFF  }
0xb3: {  	[dreg:$0x0] =	wrdreg $0x60  }
0xb4: {  	[dreg:$0x2] =	wrdreg s24  }
0xb5: {  	[dreg:$0x3] =	wrdreg s16  }
0xb6: {  	[dreg:$0x4] =	wrdreg $0x9  }
0xb7: {  	_ =	task.clear_ibuf [dreg:s7], $0x5FFFF;
	_ =	strace $0x90000046  }
0xb8: {  	s29 =	simm.s32 $0x9;
	_ =	strace $0x80000048  }
0xb9: {  	_ =	swait.ge [sflag:s29], $0x1  }
0xba: {  	[sflag:s29] =	ssyncadd.s32 $0xFFFFFFFF  }
0xbb: {  	_ =	strace $0x90000048  }
0xbc: {  	_ =	sfence  }
0xbd: {  	s30 =	sld [smem:$0x0];
	_ =	sdelay $0x2  }
0xbe: {  	s31 =	sshll.u32 s1, $0xD;
	s1 =	sshrl.u32 s1, $0x2  }
0xbf: {  	s3 =	sand.u32 $0x4000, s31;
	s1 =	sadd.s32 s1, s30  }
0xc0: {  	s0 =	sor.u32 s3, s0;
	s1 =	sshll.u32 s1, $0x11  }
0xc1: {  	s0 =	sor.u32 s1, s0  }
0xc2: {  	s0 =	sadd.s32 $0x8F2B, s0  }
0xc3: {  	[sflag:s0] =	ssyncadd.remote.s32 $0x1  }
0xc4: {  	_ =	sfence.sel $0xFFFF  }
0xc5: {  	[dreg:$0x0] =	wrdreg $0xFFFFFFFF;
	(pc) =	sbr.abs _section_cstart, $3  }
0xc6: {  	[dreg:$0x1] =	wrdreg $0xFFFFFFFF  }
0xc7: {  	_ =	task.clear_ibuf [dreg:s7], $0x2FFFF;
	_ =	strace $0x9FFFFFFF  }
0xc8: {  	(tm) =	ssettm $0x7FFFFFFF  }
0xc9: {  	_ =	shalt  }
tec
execute0_lowered:
.L_overlay_start_1:
0x0: {  	(tag) =	ssettag $0x1  }
0x1: {  	s0 =	srdreg.scid  }
0x2: {  	s4 =	rddreg [dreg:$0x0];
	s3 =	sand.u32 $0x1, s0  }
0x3: {  	s5 =	rddreg [dreg:$0x1];
	s0 =	stileid.u32;
	s1 =	sshll.u32 s3, $0x4  }
0x4: {  	s2 =	simm.s32 $0x0;
	s9 =	simm.s32 $0x2800;
	s6 =	sor.u32 s0, s1  }
0x5: {  	s10 =	simm.s32 $0x5000;
	s11 =	simm.s32 $0x7800;
	s6 =	smul.u32 $0x2800, s6  }
0x6: {  	s12 =	simm.s32 $0x0;
	[smem:$0x7FF] =	sst s2;
	s3 =	ssub.s32 $0x2, s3  }
0x7: {  	s1 =	rddreg [dreg:$0x2];
	s7 =	sshrl.u32 s3, $0x1;
	s6 =	sshrl.u32 s6, $0x3  }
0x8: {  	_ =	strace $0x80000047;
	s7 =	ssub.s32 s3, s7;
	s8 =	sadd.s32 s6, s4  }
0x9: {  	s7 =	smax.u32 s7, $0x1;
	s3 =	sadd.s32 s5, s6;
	s4 =	sadd.s32 $0xAC00, s8  }
0xa: {  	v0 =	vimm.f32 $0.0e+00;
	v1 =	vimm.f32 $1.000000000e+00;
	s5 =	sadd.s32 $0xC00, s8;
	s6 =	sadd.s32 $0xA000, s3;
	s8 =	simm.s32 $0x1  }
.LBB2_1:
0xb: {  	s13 =	simm.s32 $0x5020  }
0xc: {  	[tilespmem:s13+$0xFFFFFFF0] =	vst v0  }
0xd: {  	[tilespmem:s13+$0xFFFFFFE0] =	vst v0  }
0xe: {  	[tilespmem:s13+$0x0] =	vst v0  }
0xf: {  	s14 =	simm.s32 $0x7820;
	[tilespmem:s13+$0x10] =	vst v0  }
0x10: {  	[tilespmem:s14+$0xFFFFFFE0] =	vst v0  }
0x11: {  	[tilespmem:s14+$0x10] =	vst v0  }
0x12: {  	s15 =	simm.s32 $0x0;
	[tilespmem:s14+$0x0] =	vst v0  }
.LBB2_2:
0x13: {  	s15 =	sadd.s32 $0x4, s15;
	[tilespmem:s14+$0xFFFFFFF0] =	vst v0;
	s13 =	sadd.s32 $0x40, s13;
	s14 =	sadd.s32 $0x40, s14  }
0x14: {  	[tilespmem:s13+$0xFFFFFFF0] =	vst v0;
	p0 =	slt.u32 s15, $0x27C  }
0x15: {  	[tilespmem:s13+$0xFFFFFFE0] =	vst v0  }
.Ltmp0:
0x16: {  	[tilespmem:s14+$0xFFFFFFE0] =	vst v0;
	(pc) =	sbr.rel @p0 .LBB2_2-.Ltmp0, $4  }
0x17: {  	[tilespmem:s13+$0x0] =	vst v0  }
0x18: {  	[tilespmem:s13+$0x10] =	vst v0  }
0x19: {  	[tilespmem:s14+$0x10] =	vst v0  }
0x1a: {  	[tilespmem:s14+$0x0] =	vst v0  }
0x1b: {  	[tilespmem:s14+$0xFFFFFFF0] =	vst v0  }
0x1c: {  	[tilespmem:s2], [sflag:$0x1] =	stream.linear.gather [hbm4b:s4+s2], $0x2800, $0x38;
	[tilespmem:$0xA000] =	vst v63  }
0x1d: {  	_ =	swait.ge [sflag:s8], $0x2800  }
0x1e: {  	[sflag:s8] =	ssyncset.done $0x0  }
0x1f: {  	[sflag:s8] =	ssyncadd.s32 $0xFFFFD800  }
0x20: {  	[tilespmem:s9], [sflag:$0x1] =	stream.linear.gather [hbm4b:s5+s2], $0x2800, $0x38;
	[tilespmem:$0xA000] =	vst v63  }
0x21: {  	_ =	swait.ge [sflag:s8], $0x2800  }
0x22: {  	[sflag:s8] =	ssyncset.done $0x0  }
0x23: {  	s13 =	simm.s32 $0x80;
	[sflag:s8] =	ssyncadd.s32 $0xFFFFD800  }
0x24: {  	s14 =	simm.s32 $0x2880;
	v2 =	vld [tilespmem:s13+$0x0]  }
0x25: {  	v3 =	vld [tilespmem:s14+$0x0];
	_ =	sdelay $0x4  }
0x26: {  	v4 =	vld [tilespmem:s13+$0xFFFFFF80]  }
0x27: {  	v5 =	vld [tilespmem:s14+$0xFFFFFF80]  }
0x28: {  	[tilespmem:v2+s10+$0x0] =	vst.idx.add.f32.msk $0xffff, v1  }
0x29: {  	[tilespmem:v3+s11+$0x0] =	vst.idx.add.f32.msk $0xffff, v1  }
0x2a: {  	v2 =	vld [tilespmem:s13+$0x10]  }
0x2b: {  	v3 =	vld [tilespmem:s14+$0x10];
	_ =	sdelay $0x2  }
0x2c: {  	[tilespmem:v4+s10+$0x0] =	vst.idx.add.f32.msk $0xffff, v1  }
0x2d: {  	[tilespmem:v5+s11+$0x0] =	vst.idx.add.f32.msk $0xffff, v1  }
0x2e: {  	v4 =	vld [tilespmem:s13+$0xFFFFFF90]  }
0x2f: {  	v5 =	vld [tilespmem:s14+$0xFFFFFF90]  }
0x30: {  	[tilespmem:v2+s10+$0x0] =	vst.idx.add.f32.msk $0xffff, v1  }
0x31: {  	[tilespmem:v3+s11+$0x0] =	vst.idx.add.f32.msk $0xffff, v1  }
0x32: {  	v2 =	vld [tilespmem:s13+$0x20]  }
0x33: {  	v3 =	vld [tilespmem:s14+$0x20];
	_ =	sdelay $0x2  }
0x34: {  	[tilespmem:v4+s10+$0x0] =	vst.idx.add.f32.msk $0xffff, v1  }
0x35: {  	[tilespmem:v5+s11+$0x0] =	vst.idx.add.f32.msk $0xffff, v1  }
0x36: {  	v4 =	vld [tilespmem:s13+$0xFFFFFFA0]  }
0x37: {  	v5 =	vld [tilespmem:s14+$0xFFFFFFA0]  }
0x38: {  	[tilespmem:v2+s10+$0x0] =	vst.idx.add.f32.msk $0xffff, v1  }
0x39: {  	[tilespmem:v3+s11+$0x0] =	vst.idx.add.f32.msk $0xffff, v1  }
0x3a: {  	v2 =	vld [tilespmem:s13+$0x30]  }
0x3b: {  	v3 =	vld [tilespmem:s14+$0x30];
	_ =	sdelay $0x2  }
0x3c: {  	[tilespmem:v4+s10+$0x0] =	vst.idx.add.f32.msk $0xffff, v1  }
0x3d: {  	[tilespmem:v5+s11+$0x0] =	vst.idx.add.f32.msk $0xffff, v1  }
0x3e: {  	v4 =	vld [tilespmem:s13+$0xFFFFFFB0]  }
0x3f: {  	v5 =	vld [tilespmem:s14+$0xFFFFFFB0]  }
0x40: {  	[tilespmem:v2+s10+$0x0] =	vst.idx.add.f32.msk $0xffff, v1  }
0x41: {  	[tilespmem:v3+s11+$0x0] =	vst.idx.add.f32.msk $0xffff, v1  }
0x42: {  	v2 =	vld [tilespmem:s13+$0x40]  }
0x43: {  	v3 =	vld [tilespmem:s14+$0x40];
	_ =	sdelay $0x2  }
0x44: {  	[tilespmem:v4+s10+$0x0] =	vst.idx.add.f32.msk $0xffff, v1  }
0x45: {  	[tilespmem:v5+s11+$0x0] =	vst.idx.add.f32.msk $0xffff, v1  }
0x46: {  	v4 =	vld [tilespmem:s13+$0xFFFFFFC0]  }
0x47: {  	v5 =	vld [tilespmem:s14+$0xFFFFFFC0]  }
0x48: {  	[tilespmem:v2+s10+$0x0] =	vst.idx.add.f32.msk $0xffff, v1  }
0x49: {  	[tilespmem:v3+s11+$0x0] =	vst.idx.add.f32.msk $0xffff, v1  }
0x4a: {  	v6 =	vld [tilespmem:s13+$0x50]  }
0x4b: {  	v7 =	vld [tilespmem:s14+$0x50];
	_ =	sdelay $0x4  }
0x4c: {  	[tilespmem:v4+s10+$0x0] =	vst.idx.add.f32.msk $0xffff, v1  }
0x4d: {  	[tilespmem:v5+s11+$0x0] =	vst.idx.add.f32.msk $0xffff, v1  }
0x4e: {  	[tilespmem:v6+s10+$0x0] =	vst.idx.add.f32.msk $0xffff, v1  }
0x4f: {  	[tilespmem:v7+s11+$0x0] =	vst.idx.add.f32.msk $0xffff, v1  }
0x50: {  	v4 =	vld [tilespmem:s13+$0x60]  }
0x51: {  	v5 =	vld [tilespmem:s14+$0x60]  }
0x52: {  	v2 =	vld [tilespmem:s13+$0xFFFFFFD0]  }
0x53: {  	s16 =	simm.s32 $0x0;
	s17 =	simm.s32 $0x180;
	s15 =	simm.s32 $0x2880;
	v3 =	vld [tilespmem:s14+$0xFFFFFFD0]  }
.LBB2_4:
0x54: {  	v6 =	vld [tilespmem:s17+$0x0];
	s14 =	sadd.s32 $0x100, s14  }
0x55: {  	v7 =	vld [tilespmem:s14+$0x0]  }
0x56: {  	v8 =	vld [tilespmem:s14+$0xFFFFFF80]  }
0x57: {  	v9 =	vld [tilespmem:s17+$0xFFFFFF80]  }
0x58: {  	[tilespmem:v4+s10+$0x0] =	vst.idx.add.f32.msk $0xffff, v1  }
0x59: {  	[tilespmem:v5+s11+$0x0] =	vst.idx.add.f32.msk $0xffff, v1  }
0x5a: {  	v4 =	vld [tilespmem:s13+$0x70]  }
0x5b: {  	v5 =	vld [tilespmem:s15+$0x70]  }
0x5c: {  	s16 =	sadd.s32 $0x2, s16;
	[tilespmem:v6+s10+$0x0] =	vst.idx.add.f32.msk $0xffff, v1  }
0x5d: {  	p0 =	slt.u32 s16, $0x4E;
	[tilespmem:v7+s11+$0x0] =	vst.idx.add.f32.msk $0xffff, v1  }
0x5e: {  	v6 =	vld [tilespmem:s17+$0x10]  }
0x5f: {  	v7 =	vld [tilespmem:s14+$0x10]  }
0x60: {  	[tilespmem:v9+s10+$0x0] =	vst.idx.add.f32.msk $0xffff, v1  }
0x61: {  	[tilespmem:v8+s11+$0x0] =	vst.idx.add.f32.msk $0xffff, v1  }
0x62: {  	[tilespmem:v4+s10+$0x0] =	vst.idx.add.f32.msk $0xffff, v1  }
0x63: {  	[tilespmem:v5+s11+$0x0] =	vst.idx.add.f32.msk $0xffff, v1  }
0x64: {  	v4 =	vld [tilespmem:s17+$0xFFFFFF90]  }
0x65: {  	v5 =	vld [tilespmem:s14+$0xFFFFFF90]  }
0x66: {  	[tilespmem:v6+s10+$0x0] =	vst.idx.add.f32.msk $0xffff, v1  }
0x67: {  	[tilespmem:v7+s11+$0x0] =	vst.idx.add.f32.msk $0xffff, v1  }
0x68: {  	v6 =	vld [tilespmem:s17+$0x20]  }
0x69: {  	v7 =	vld [tilespmem:s14+$0x20]  }
0x6a: {  	[tilespmem:v2+s10+$0x0] =	vst.idx.add.f32.msk $0xffff, v1  }
0x6b: {  	[tilespmem:v3+s11+$0x0] =	vst.idx.add.f32.msk $0xffff, v1  }
0x6c: {  	[tilespmem:v4+s10+$0x0] =	vst.idx.add.f32.msk $0xffff, v1  }
0x6d: {  	[tilespmem:v5+s11+$0x0] =	vst.idx.add.f32.msk $0xffff, v1  }
0x6e: {  	v2 =	vld [tilespmem:s17+$0xFFFFFFA0]  }
0x6f: {  	v3 =	vld [tilespmem:s14+$0xFFFFFFA0]  }
0x70: {  	[tilespmem:v6+s10+$0x0] =	vst.idx.add.f32.msk $0xffff, v1  }
0x71: {  	[tilespmem:v7+s11+$0x0] =	vst.idx.add.f32.msk $0xffff, v1  }
0x72: {  	v4 =	vld [tilespmem:s17+$0x30]  }
0x73: {  	v5 =	vld [tilespmem:s14+$0x30]  }
0x74: {  	v6 =	vld [tilespmem:s13+$0xFFFFFFE0]  }
0x75: {  	v7 =	vld [tilespmem:s15+$0xFFFFFFE0]  }
0x76: {  	[tilespmem:v2+s10+$0x0] =	vst.idx.add.f32.msk $0xffff, v1  }
0x77: {  	[tilespmem:v3+s11+$0x0] =	vst.idx.add.f32.msk $0xffff, v1  }
0x78: {  	v2 =	vld [tilespmem:s17+$0xFFFFFFB0]  }
0x79: {  	v3 =	vld [tilespmem:s14+$0xFFFFFFB0]  }
0x7a: {  	[tilespmem:v4+s10+$0x0] =	vst.idx.add.f32.msk $0xffff, v1  }
0x7b: {  	[tilespmem:v5+s11+$0x0] =	vst.idx.add.f32.msk $0xffff, v1  }
0x7c: {  	v4 =	vld [tilespmem:s17+$0x40]  }
0x7d: {  	v5 =	vld [tilespmem:s14+$0x40]  }
0x7e: {  	[tilespmem:v6+s10+$0x0] =	vst.idx.add.f32.msk $0xffff, v1  }
0x7f: {  	[tilespmem:v7+s11+$0x0] =	vst.idx.add.f32.msk $0xffff, v1  }
0x80: {  	[tilespmem:v2+s10+$0x0] =	vst.idx.add.f32.msk $0xffff, v1  }
0x81: {  	[tilespmem:v3+s11+$0x0] =	vst.idx.add.f32.msk $0xffff, v1  }
0x82: {  	v2 =	vld [tilespmem:s17+$0xFFFFFFC0]  }
0x83: {  	v3 =	vld [tilespmem:s14+$0xFFFFFFC0]  }
0x84: {  	[tilespmem:v4+s10+$0x0] =	vst.idx.add.f32.msk $0xffff, v1  }
0x85: {  	[tilespmem:v5+s11+$0x0] =	vst.idx.add.f32.msk $0xffff, v1  }
0x86: {  	v4 =	vld [tilespmem:s17+$0x50]  }
0x87: {  	v5 =	vld [tilespmem:s14+$0x50]  }
0x88: {  	v6 =	vld [tilespmem:s13+$0xFFFFFFF0];
	s13 =	smov.u32 s17  }
0x89: {  	v7 =	vld [tilespmem:s15+$0xFFFFFFF0];
	s15 =	smov.u32 s14  }
0x8a: {  	[tilespmem:v2+s10+$0x0] =	vst.idx.add.f32.msk $0xffff, v1  }
0x8b: {  	[tilespmem:v3+s11+$0x0] =	vst.idx.add.f32.msk $0xffff, v1  }
0x8c: {  	v2 =	vld [tilespmem:s17+$0xFFFFFFD0]  }
0x8d: {  	v3 =	vld [tilespmem:s14+$0xFFFFFFD0]  }
0x8e: {  	[tilespmem:v4+s10+$0x0] =	vst.idx.add.f32.msk $0xffff, v1  }
.Ltmp1:
0x8f: {  	[tilespmem:v5+s11+$0x0] =	vst.idx.add.f32.msk $0xffff, v1;
	(pc) =	sbr.rel @p0 .LBB2_4-.Ltmp1, $4  }
0x90: {  	v4 =	vld [tilespmem:s17+$0x60]  }
0x91: {  	v5 =	vld [tilespmem:s14+$0x60]  }
0x92: {  	[tilespmem:v6+s10+$0x0] =	vst.idx.add.f32.msk $0xffff, v1  }
0x93: {  	s17 =	sadd.s32 $0x100, s17;
	[tilespmem:v7+s11+$0x0] =	vst.idx.add.f32.msk $0xffff, v1  }
0x94: {  	_ =	sdelay $0x3  }
0x95: {  	[tilespmem:v2+s10+$0x0] =	vst.idx.add.f32.msk $0xffff, v1  }
0x96: {  	[tilespmem:v3+s11+$0x0] =	vst.idx.add.f32.msk $0xffff, v1  }
0x97: {  	v2 =	vld [tilespmem:s13+$0xFFFFFFE0]  }
0x98: {  	v3 =	vld [tilespmem:s15+$0xFFFFFFE0];
	_ =	sdelay $0x2  }
0x99: {  	[tilespmem:v4+s10+$0x0] =	vst.idx.add.f32.msk $0xffff, v1  }
0x9a: {  	[tilespmem:v5+s11+$0x0] =	vst.idx.add.f32.msk $0xffff, v1  }
0x9b: {  	v4 =	vld [tilespmem:s13+$0x70]  }
0x9c: {  	v5 =	vld [tilespmem:s15+$0x70]  }
0x9d: {  	[tilespmem:v2+s10+$0x0] =	vst.idx.add.f32.msk $0xffff, v1  }
0x9e: {  	[tilespmem:v3+s11+$0x0] =	vst.idx.add.f32.msk $0xffff, v1  }
0x9f: {  	v2 =	vld [tilespmem:s13+$0xFFFFFFF0]  }
0xa0: {  	v3 =	vld [tilespmem:s15+$0xFFFFFFF0];
	_ =	sdelay $0x4  }
0xa1: {  	[tilespmem:v4+s10+$0x0] =	vst.idx.add.f32.msk $0xffff, v1  }
0xa2: {  	[tilespmem:v5+s11+$0x0] =	vst.idx.add.f32.msk $0xffff, v1  }
0xa3: {  	[tilespmem:v2+s10+$0x0] =	vst.idx.add.f32.msk $0xffff, v1  }
0xa4: {  	[tilespmem:v3+s11+$0x0] =	vst.idx.add.f32.msk $0xffff, v1  }
0xa5: {  	[hbm4b:s3+s2] =	stream.linear.scatter [tilespmem:s10], [sflag:$0x1], $0x2800, $0x38;
	[tilespmem:$0xA000] =	vst v63  }
0xa6: {  	s12 =	sadd.s32 $0x1, s12;
	_ =	swait.ge [sflag:s8], $0x2800  }
0xa7: {  	p0 =	sne.s32 s12, s7;
	[sflag:s8] =	ssyncset.done $0x0  }
.Ltmp2:
0xa8: {  	[sflag:s8] =	ssyncadd.s32 $0xFFFFD800;
	(pc) =	sbr.rel @p0 .LBB2_1-.Ltmp2, $4  }
0xa9: {  	[hbm4b:s6+s2] =	stream.linear.scatter [tilespmem:s11], [sflag:$0x1], $0x2800, $0x38;
	[tilespmem:$0xA000] =	vst v63  }
0xaa: {  	_ =	swait.ge [sflag:s8], $0x2800  }
0xab: {  	[sflag:s8] =	ssyncset.done $0x0  }
0xac: {  	[sflag:s8] =	ssyncadd.s32 $0xFFFFD800  }
0xad: {  	_ =	sfence.sel $0x180000  }
0xae: {  	[bflag:$0x0] =	sbarrier.arrive $0xFFFF  }
0xaf: {  	p0 =	sne.s32 s0, $0x0;
	_ =	strace $0x90000047  }
0xb0: {  	s0 =	sadd.s32 @!p0 $0x100000, s1;
	[bflag:$0x2] =	sbarrier.arrive $0xFFFF  }
0xb1: {  	[sflag:s0] =	ssyncadd.tile.s32 @!p0 $0x1;
	_ =	shalt  }
.Lfunc_end2:
_tile_overlayer_lowered:
.L_overlay_start_2:
0xb2: {  	(tag) =	ssettag $0x2  }
0xb3: {  	s0 =	rddreg [dreg:$0x0];
	s2 =	stileid.u32  }
0xb4: {  	s1 =	rddreg [dreg:$0x1];
	p0 =	sne.s32 s2, $0x0  }
0xb5: {  	s3 =	rddreg [dreg:$0x2];
	[bflag:$0x3] =	sbarrier.arrive $0xFFFF;
	s2 =	simm.s32 @!p0 $0x1C01  }
0xb6: {  	[timem:s3], [sflag:s2] =	dma.local @!p0 [hbm:s0], s1  }
0xb7: {  	s0 =	simm.s32 @!p0 $0x1  }
0xb8: {  	_ =	swait.ge @!p0 [sflag:s0], s1  }
0xb9: {  	s1 =	ssub.s32 @!p0 $0x0, s1;
	[sflag:s0] =	ssyncset.done @!p0 $0x0  }
0xba: {  	[sflag:s0] =	ssyncadd.s32 @!p0 s1  }
0xbb: {  	[bflag:$0x3] =	sbarrier.arrive $0xFFFF  }
0xbc: {  	_ =	shalt  }

</sc_bundles>
